<compile_context>
chip_gen: v7x
topology: tpu7x:2x2x1
jax: 0.10.2.dev20260603
libtpu: 0.0.44.dev20260713+nightly
codegen_flags: <defaults>
</compile_context>

<pallas_src>
import functools

import jax
import jax.numpy as jnp
from jax import lax
from jax.experimental import pallas as pl
from jax.experimental.pallas import tpu as pltpu
from jax.experimental.pallas import tpu_sc as plsc

HIDDEN = 128
NC = 2
NS = 16
NW = NC * NS
CH = 64
NBUF = 14
W = 2
LOOK = NBUF - W


@functools.lru_cache(maxsize=None)
def _make_emb(B):
    assert B % (NW * CH) == 0
    bpw = B // NW
    nch = bpw // CH
    assert nch > NBUF > LOOK

    mesh = plsc.VectorSubcoreMesh(core_axis_name="c", subcore_axis_name="s")

    @functools.partial(
        pl.kernel,
        mesh=mesh,
        out_type=jax.ShapeDtypeStruct((B, HIDDEN), jnp.float32),
        scratch_types=[
            pltpu.VMEM((bpw,), jnp.int32),
            pltpu.VMEM((NBUF, CH, HIDDEN), jnp.float32),
        ] + [pltpu.SemaphoreType.DMA] * (2 * NBUF),
    )
    def emb(ids_hbm, table_hbm, out_hbm, idx_v, rows_v, *sems):
        gsem = sems[:NBUF]
        ssem = sems[NBUF:]
        wid = lax.axis_index("s") * NC + lax.axis_index("c")
        base = wid * bpw
        pltpu.sync_copy(ids_hbm.at[pl.ds(base, bpw)], idx_v)

        def g_copy(c, b):
            return pltpu.make_async_copy(
                table_hbm.at[idx_v.at[pl.ds(c * CH, CH)]], rows_v.at[b],
                gsem[b])

        def s_copy(c, b):
            return pltpu.make_async_copy(
                rows_v.at[b], out_hbm.at[pl.ds(base + c * CH, CH)], ssem[b])

        for b in range(LOOK):
            g_copy(b, b).start()

        def slot(c, j, guarded):
            if guarded:
                @pl.when(c >= W)
                def _():
                    s_copy(c - W, (j - W) % NBUF).wait()

                @pl.when(c + LOOK < nch)
                def _():
                    g_copy(c + LOOK, (j + LOOK) % NBUF).start()
            else:
                s_copy(c - W, (j - W) % NBUF).wait()
            g_copy(c, j).wait()
            s_copy(c, j).start()

        def body(i, carry):
            for j in range(NBUF):
                slot(i * NBUF + j, j, guarded=True)
            return carry

        nloop = nch // NBUF
        lax.fori_loop(0, nloop, body, 0)

        for j in range(nch - nloop * NBUF):
            slot(nloop * NBUF + j, j, guarded=False)
        for c in range(nch - W, nch):
            s_copy(c, c % NBUF).wait()

    return emb


def kernel(input_ids, embed_table):
    B = input_ids.size
    ids = input_ids.reshape(B).astype(jnp.int32)
    out = _make_emb(B)(ids, embed_table)
    return out.reshape(-1, 1, HIDDEN)

# --- scband reference (transcript-rebuilt; emitter-appended) ---
"""Pipeline reference for scband-embedding-13752485282384 (READ-ONLY COPY).

The authoritative reference and input builder live on the scoring server;
editing this copy changes nothing except your own understanding.
"""

import jax, jax.numpy as jnp
import numpy as np

VOCAB = 100000
HIDDEN = 128
BATCH = 1024
SEQ = 200

def setup_inputs(seed: int = 0) -> dict:
    key = jax.random.key(seed)
    k_ids, k_tab = jax.random.split(key)
    input_ids = jax.random.randint(k_ids, (BATCH, SEQ), 0, VOCAB, dtype=jnp.int64 if jax.config.jax_enable_x64 else jnp.int32)
    embed_table = jax.random.normal(k_tab, (VOCAB, HIDDEN), dtype=jnp.float32) * 0.02
    return {"input_ids": input_ids, "embed_table": embed_table}

def reference(input_ids, embed_table):
    # Faithful to torch forward: embed(input_ids).view(-1, 1, hidden_size)
    # Note: embed_scale is computed in __init__ but never applied in forward.
    inputs_embeds = jnp.take(embed_table, input_ids, axis=0)
    inputs_embeds = inputs_embeds.reshape(-1, 1, HIDDEN)
    return inputs_embeds

if __name__ == "__main__":
    import jax
    _d = setup_inputs()
    print(jax.jit(kernel)(*tuple(_d.values())))

</pallas_src>

<mosaic_0001>
#map = affine_map<(d0, d1) -> (0)>
#map1 = affine_map<(d0, d1) -> (0, 0)>
module attributes {stable_mosaic.version = 14 : i64} {
  func.func @emb(%arg0: i32, %arg1: i32, %arg2: memref<204800xi32, #tpu.memory_space<hbm>>, %arg3: memref<100000x128xf32, #tpu.memory_space<hbm>>, %arg4: memref<204800x128xf32, #tpu.memory_space<hbm>>, %arg5: memref<6400xi32, #tpu.memory_space<vmem>>, %arg6: memref<14x64x128xf32, #tpu.memory_space<vmem>>, %arg7: memref<!tpu.dma_semaphore, #tpu.memory_space<semaphore_mem>>, %arg8: memref<!tpu.dma_semaphore, #tpu.memory_space<semaphore_mem>>, %arg9: memref<!tpu.dma_semaphore, #tpu.memory_space<semaphore_mem>>, %arg10: memref<!tpu.dma_semaphore, #tpu.memory_space<semaphore_mem>>, %arg11: memref<!tpu.dma_semaphore, #tpu.memory_space<semaphore_mem>>, %arg12: memref<!tpu.dma_semaphore, #tpu.memory_space<semaphore_mem>>, %arg13: memref<!tpu.dma_semaphore, #tpu.memory_space<semaphore_mem>>, %arg14: memref<!tpu.dma_semaphore, #tpu.memory_space<semaphore_mem>>, %arg15: memref<!tpu.dma_semaphore, #tpu.memory_space<semaphore_mem>>, %arg16: memref<!tpu.dma_semaphore, #tpu.memory_space<semaphore_mem>>, %arg17: memref<!tpu.dma_semaphore, #tpu.memory_space<semaphore_mem>>, %arg18: memref<!tpu.dma_semaphore, #tpu.memory_space<semaphore_mem>>, %arg19: memref<!tpu.dma_semaphore, #tpu.memory_space<semaphore_mem>>, %arg20: memref<!tpu.dma_semaphore, #tpu.memory_space<semaphore_mem>>, %arg21: memref<!tpu.dma_semaphore, #tpu.memory_space<semaphore_mem>>, %arg22: memref<!tpu.dma_semaphore, #tpu.memory_space<semaphore_mem>>, %arg23: memref<!tpu.dma_semaphore, #tpu.memory_space<semaphore_mem>>, %arg24: memref<!tpu.dma_semaphore, #tpu.memory_space<semaphore_mem>>, %arg25: memref<!tpu.dma_semaphore, #tpu.memory_space<semaphore_mem>>, %arg26: memref<!tpu.dma_semaphore, #tpu.memory_space<semaphore_mem>>, %arg27: memref<!tpu.dma_semaphore, #tpu.memory_space<semaphore_mem>>, %arg28: memref<!tpu.dma_semaphore, #tpu.memory_space<semaphore_mem>>, %arg29: memref<!tpu.dma_semaphore, #tpu.memory_space<semaphore_mem>>, %arg30: memref<!tpu.dma_semaphore, #tpu.memory_space<semaphore_mem>>, %arg31: memref<!tpu.dma_semaphore, #tpu.memory_space<semaphore_mem>>, %arg32: memref<!tpu.dma_semaphore, #tpu.memory_space<semaphore_mem>>, %arg33: memref<!tpu.dma_semaphore, #tpu.memory_space<semaphore_mem>>, %arg34: memref<!tpu.dma_semaphore, #tpu.memory_space<semaphore_mem>>) attributes {dimension_semantics = [#tpu.dimension_semantics<core_parallel>, #tpu.dimension_semantics<subcore_parallel>], iteration_bounds = array<i64: 2, 16>, scalar_prefetch = 0 : i64, scratch_operands = 30 : i64, tpu.core_type = #tpu.core_type<sc_vector_subcore>, window_params = [{transform_indices = #map}, {transform_indices = #map1}, {transform_indices = #map1}]} {
    %mul3A = arith.constant 2 : i32
    %mul3A_0 = arith.muli %arg1, %mul3A : i32
    %add3A = arith.addi %mul3A_0, %arg0 : i32
    %mul3A_1 = arith.constant 6400 : i32
    %mul3A_2 = arith.muli %add3A, %mul3A_1 : i32
    "tpu.region"() ({
      %run_scoped3A = tpu.sem_alloc : memref<!tpu.dma_semaphore, #tpu.memory_space<semaphore_mem>>
      %dma_start3A_236 = tpu.memref_slice %arg2[%mul3A_2] : memref<204800xi32, #tpu.memory_space<hbm>> -> memref<6400xi32, #tpu.memory_space<hbm>>
      %dma_start3A_237 = tpu.memref_slice %arg2[%mul3A_2] : memref<204800xi32, #tpu.memory_space<hbm>> -> memref<6400xi32, #tpu.memory_space<hbm>>
      tpu.enqueue_dma source(%dma_start3A_237 : memref<6400xi32, #tpu.memory_space<hbm>>) target(%arg5 : memref<6400xi32, #tpu.memory_space<vmem>>) target_semaphore(%run_scoped3A : memref<!tpu.dma_semaphore, #tpu.memory_space<semaphore_mem>>)
      %dma_wait3A_238 = tpu.memref_slice %arg2[%mul3A_2] : memref<204800xi32, #tpu.memory_space<hbm>> -> memref<6400xi32, #tpu.memory_space<hbm>>
      %dma_wait3A_239 = tpu.memref_slice %arg2[%mul3A_2] : memref<204800xi32, #tpu.memory_space<hbm>> -> memref<6400xi32, #tpu.memory_space<hbm>>
      tpu.wait_dma2 semaphore(%run_scoped3A : memref<!tpu.dma_semaphore, #tpu.memory_space<semaphore_mem>>) src(%dma_wait3A_239 : memref<6400xi32, #tpu.memory_space<hbm>>) dst(%arg5 : memref<6400xi32, #tpu.memory_space<vmem>>)
      tpu.yield
    }) : () -> ()
    %dma_start3A = arith.constant 0 : i32
    %dma_start3A_3 = arith.constant 0 : i32
    %dma_start3A_4 = arith.constant 0 : i32
    %dma_start3A_5 = tpu.memref_slice %arg6[%dma_start3A, %dma_start3A_3, %dma_start3A_4] : memref<14x64x128xf32, #tpu.memory_space<vmem>> -> memref<1x64x128xf32, #tpu.memory_space<vmem>>
    %dma_start3A_6 = tpu.memref_squeeze %dma_start3A_5 : memref<1x64x128xf32, #tpu.memory_space<vmem>> -> memref<64x128xf32, #tpu.memory_space<vmem>>
    %dma_start3A_7 = arith.constant 0 : i32
    %dma_start3A_8 = tpu.memref_slice %arg5[%dma_start3A_7] : memref<6400xi32, #tpu.memory_space<vmem>> -> memref<64xi32, #tpu.memory_space<vmem>>
    %dma_start3A_9 = arith.constant 0 : i32
    %dma_start3A_10 = arith.constant 0 : i32
    %dma_start3A_11 = tpu.memref_slice %arg3[%dma_start3A_9, %dma_start3A_10] : memref<100000x128xf32, #tpu.memory_space<hbm>> -> memref<100000x128xf32, #tpu.memory_space<hbm>>
    tpu.enqueue_indirect_dma source(%dma_start3A_11 : memref<100000x128xf32, #tpu.memory_space<hbm>>) target(%dma_start3A_6 : memref<64x128xf32, #tpu.memory_space<vmem>>) offsets(%dma_start3A_8 : memref<64xi32, #tpu.memory_space<vmem>>) semaphore(%arg7 : memref<!tpu.dma_semaphore, #tpu.memory_space<semaphore_mem>>)
    %dma_start3A_12 = arith.constant 1 : i32
    %dma_start3A_13 = arith.constant 0 : i32
    %dma_start3A_14 = arith.constant 0 : i32
    %dma_start3A_15 = tpu.memref_slice %arg6[%dma_start3A_12, %dma_start3A_13, %dma_start3A_14] : memref<14x64x128xf32, #tpu.memory_space<vmem>> -> memref<1x64x128xf32, #tpu.memory_space<vmem>>
    %dma_start3A_16 = tpu.memref_squeeze %dma_start3A_15 : memref<1x64x128xf32, #tpu.memory_space<vmem>> -> memref<64x128xf32, #tpu.memory_space<vmem>>
    %dma_start3A_17 = arith.constant 64 : i32
    %dma_start3A_18 = tpu.memref_slice %arg5[%dma_start3A_17] : memref<6400xi32, #tpu.memory_space<vmem>> -> memref<64xi32, #tpu.memory_space<vmem>>
    %dma_start3A_19 = arith.constant 0 : i32
    %dma_start3A_20 = arith.constant 0 : i32
    %dma_start3A_21 = tpu.memref_slice %arg3[%dma_start3A_19, %dma_start3A_20] : memref<100000x128xf32, #tpu.memory_space<hbm>> -> memref<100000x128xf32, #tpu.memory_space<hbm>>
    tpu.enqueue_indirect_dma source(%dma_start3A_21 : memref<100000x128xf32, #tpu.memory_space<hbm>>) target(%dma_start3A_16 : memref<64x128xf32, #tpu.memory_space<vmem>>) offsets(%dma_start3A_18 : memref<64xi32, #tpu.memory_space<vmem>>) semaphore(%arg8 : memref<!tpu.dma_semaphore, #tpu.memory_space<semaphore_mem>>)
    %dma_start3A_22 = arith.constant 2 : i32
    %dma_start3A_23 = arith.constant 0 : i32
    %dma_start3A_24 = arith.constant 0 : i32
    %dma_start3A_25 = tpu.memref_slice %arg6[%dma_start3A_22, %dma_start3A_23, %dma_start3A_24] : memref<14x64x128xf32, #tpu.memory_space<vmem>> -> memref<1x64x128xf32, #tpu.memory_space<vmem>>
    %dma_start3A_26 = tpu.memref_squeeze %dma_start3A_25 : memref<1x64x128xf32, #tpu.memory_space<vmem>> -> memref<64x128xf32, #tpu.memory_space<vmem>>
    %dma_start3A_27 = arith.constant 128 : i32
    %dma_start3A_28 = tpu.memref_slice %arg5[%dma_start3A_27] : memref<6400xi32, #tpu.memory_space<vmem>> -> memref<64xi32, #tpu.memory_space<vmem>>
    %dma_start3A_29 = arith.constant 0 : i32
    %dma_start3A_30 = arith.constant 0 : i32
    %dma_start3A_31 = tpu.memref_slice %arg3[%dma_start3A_29, %dma_start3A_30] : memref<100000x128xf32, #tpu.memory_space<hbm>> -> memref<100000x128xf32, #tpu.memory_space<hbm>>
    tpu.enqueue_indirect_dma source(%dma_start3A_31 : memref<100000x128xf32, #tpu.memory_space<hbm>>) target(%dma_start3A_26 : memref<64x128xf32, #tpu.memory_space<vmem>>) offsets(%dma_start3A_28 : memref<64xi32, #tpu.memory_space<vmem>>) semaphore(%arg9 : memref<!tpu.dma_semaphore, #tpu.memory_space<semaphore_mem>>)
    %dma_start3A_32 = arith.constant 3 : i32
    %dma_start3A_33 = arith.constant 0 : i32
    %dma_start3A_34 = arith.constant 0 : i32
    %dma_start3A_35 = tpu.memref_slice %arg6[%dma_start3A_32, %dma_start3A_33, %dma_start3A_34] : memref<14x64x128xf32, #tpu.memory_space<vmem>> -> memref<1x64x128xf32, #tpu.memory_space<vmem>>
    %dma_start3A_36 = tpu.memref_squeeze %dma_start3A_35 : memref<1x64x128xf32, #tpu.memory_space<vmem>> -> memref<64x128xf32, #tpu.memory_space<vmem>>
    %dma_start3A_37 = arith.constant 192 : i32
    %dma_start3A_38 = tpu.memref_slice %arg5[%dma_start3A_37] : memref<6400xi32, #tpu.memory_space<vmem>> -> memref<64xi32, #tpu.memory_space<vmem>>
    %dma_start3A_39 = arith.constant 0 : i32
    %dma_start3A_40 = arith.constant 0 : i32
    %dma_start3A_41 = tpu.memref_slice %arg3[%dma_start3A_39, %dma_start3A_40] : memref<100000x128xf32, #tpu.memory_space<hbm>> -> memref<100000x128xf32, #tpu.memory_space<hbm>>
    tpu.enqueue_indirect_dma source(%dma_start3A_41 : memref<100000x128xf32, #tpu.memory_space<hbm>>) target(%dma_start3A_36 : memref<64x128xf32, #tpu.memory_space<vmem>>) offsets(%dma_start3A_38 : memref<64xi32, #tpu.memory_space<vmem>>) semaphore(%arg10 : memref<!tpu.dma_semaphore, #tpu.memory_space<semaphore_mem>>)
    %dma_start3A_42 = arith.constant 4 : i32
    %dma_start3A_43 = arith.constant 0 : i32
    %dma_start3A_44 = arith.constant 0 : i32
    %dma_start3A_45 = tpu.memref_slice %arg6[%dma_start3A_42, %dma_start3A_43, %dma_start3A_44] : memref<14x64x128xf32, #tpu.memory_space<vmem>> -> memref<1x64x128xf32, #tpu.memory_space<vmem>>
    %dma_start3A_46 = tpu.memref_squeeze %dma_start3A_45 : memref<1x64x128xf32, #tpu.memory_space<vmem>> -> memref<64x128xf32, #tpu.memory_space<vmem>>
    %dma_start3A_47 = arith.constant 256 : i32
    %dma_start3A_48 = tpu.memref_slice %arg5[%dma_start3A_47] : memref<6400xi32, #tpu.memory_space<vmem>> -> memref<64xi32, #tpu.memory_space<vmem>>
    %dma_start3A_49 = arith.constant 0 : i32
    %dma_start3A_50 = arith.constant 0 : i32
    %dma_start3A_51 = tpu.memref_slice %arg3[%dma_start3A_49, %dma_start3A_50] : memref<100000x128xf32, #tpu.memory_space<hbm>> -> memref<100000x128xf32, #tpu.memory_space<hbm>>
    tpu.enqueue_indirect_dma source(%dma_start3A_51 : memref<100000x128xf32, #tpu.memory_space<hbm>>) target(%dma_start3A_46 : memref<64x128xf32, #tpu.memory_space<vmem>>) offsets(%dma_start3A_48 : memref<64xi32, #tpu.memory_space<vmem>>) semaphore(%arg11 : memref<!tpu.dma_semaphore, #tpu.memory_space<semaphore_mem>>)
    %dma_start3A_52 = arith.constant 5 : i32
    %dma_start3A_53 = arith.constant 0 : i32
    %dma_start3A_54 = arith.constant 0 : i32
    %dma_start3A_55 = tpu.memref_slice %arg6[%dma_start3A_52, %dma_start3A_53, %dma_start3A_54] : memref<14x64x128xf32, #tpu.memory_space<vmem>> -> memref<1x64x128xf32, #tpu.memory_space<vmem>>
    %dma_start3A_56 = tpu.memref_squeeze %dma_start3A_55 : memref<1x64x128xf32, #tpu.memory_space<vmem>> -> memref<64x128xf32, #tpu.memory_space<vmem>>
    %dma_start3A_57 = arith.constant 320 : i32
    %dma_start3A_58 = tpu.memref_slice %arg5[%dma_start3A_57] : memref<6400xi32, #tpu.memory_space<vmem>> -> memref<64xi32, #tpu.memory_space<vmem>>
    %dma_start3A_59 = arith.constant 0 : i32
    %dma_start3A_60 = arith.constant 0 : i32
    %dma_start3A_61 = tpu.memref_slice %arg3[%dma_start3A_59, %dma_start3A_60] : memref<100000x128xf32, #tpu.memory_space<hbm>> -> memref<100000x128xf32, #tpu.memory_space<hbm>>
    tpu.enqueue_indirect_dma source(%dma_start3A_61 : memref<100000x128xf32, #tpu.memory_space<hbm>>) target(%dma_start3A_56 : memref<64x128xf32, #tpu.memory_space<vmem>>) offsets(%dma_start3A_58 : memref<64xi32, #tpu.memory_space<vmem>>) semaphore(%arg12 : memref<!tpu.dma_semaphore, #tpu.memory_space<semaphore_mem>>)
    %dma_start3A_62 = arith.constant 6 : i32
    %dma_start3A_63 = arith.constant 0 : i32
    %dma_start3A_64 = arith.constant 0 : i32
    %dma_start3A_65 = tpu.memref_slice %arg6[%dma_start3A_62, %dma_start3A_63, %dma_start3A_64] : memref<14x64x128xf32, #tpu.memory_space<vmem>> -> memref<1x64x128xf32, #tpu.memory_space<vmem>>
    %dma_start3A_66 = tpu.memref_squeeze %dma_start3A_65 : memref<1x64x128xf32, #tpu.memory_space<vmem>> -> memref<64x128xf32, #tpu.memory_space<vmem>>
    %dma_start3A_67 = arith.constant 384 : i32
    %dma_start3A_68 = tpu.memref_slice %arg5[%dma_start3A_67] : memref<6400xi32, #tpu.memory_space<vmem>> -> memref<64xi32, #tpu.memory_space<vmem>>
    %dma_start3A_69 = arith.constant 0 : i32
    %dma_start3A_70 = arith.constant 0 : i32
    %dma_start3A_71 = tpu.memref_slice %arg3[%dma_start3A_69, %dma_start3A_70] : memref<100000x128xf32, #tpu.memory_space<hbm>> -> memref<100000x128xf32, #tpu.memory_space<hbm>>
    tpu.enqueue_indirect_dma source(%dma_start3A_71 : memref<100000x128xf32, #tpu.memory_space<hbm>>) target(%dma_start3A_66 : memref<64x128xf32, #tpu.memory_space<vmem>>) offsets(%dma_start3A_68 : memref<64xi32, #tpu.memory_space<vmem>>) semaphore(%arg13 : memref<!tpu.dma_semaphore, #tpu.memory_space<semaphore_mem>>)
    %dma_start3A_72 = arith.constant 7 : i32
    %dma_start3A_73 = arith.constant 0 : i32
    %dma_start3A_74 = arith.constant 0 : i32
    %dma_start3A_75 = tpu.memref_slice %arg6[%dma_start3A_72, %dma_start3A_73, %dma_start3A_74] : memref<14x64x128xf32, #tpu.memory_space<vmem>> -> memref<1x64x128xf32, #tpu.memory_space<vmem>>
    %dma_start3A_76 = tpu.memref_squeeze %dma_start3A_75 : memref<1x64x128xf32, #tpu.memory_space<vmem>> -> memref<64x128xf32, #tpu.memory_space<vmem>>
    %dma_start3A_77 = arith.constant 448 : i32
    %dma_start3A_78 = tpu.memref_slice %arg5[%dma_start3A_77] : memref<6400xi32, #tpu.memory_space<vmem>> -> memref<64xi32, #tpu.memory_space<vmem>>
    %dma_start3A_79 = arith.constant 0 : i32
    %dma_start3A_80 = arith.constant 0 : i32
    %dma_start3A_81 = tpu.memref_slice %arg3[%dma_start3A_79, %dma_start3A_80] : memref<100000x128xf32, #tpu.memory_space<hbm>> -> memref<100000x128xf32, #tpu.memory_space<hbm>>
    tpu.enqueue_indirect_dma source(%dma_start3A_81 : memref<100000x128xf32, #tpu.memory_space<hbm>>) target(%dma_start3A_76 : memref<64x128xf32, #tpu.memory_space<vmem>>) offsets(%dma_start3A_78 : memref<64xi32, #tpu.memory_space<vmem>>) semaphore(%arg14 : memref<!tpu.dma_semaphore, #tpu.memory_space<semaphore_mem>>)
    %dma_start3A_82 = arith.constant 8 : i32
    %dma_start3A_83 = arith.constant 0 : i32
    %dma_start3A_84 = arith.constant 0 : i32
    %dma_start3A_85 = tpu.memref_slice %arg6[%dma_start3A_82, %dma_start3A_83, %dma_start3A_84] : memref<14x64x128xf32, #tpu.memory_space<vmem>> -> memref<1x64x128xf32, #tpu.memory_space<vmem>>
    %dma_start3A_86 = tpu.memref_squeeze %dma_start3A_85 : memref<1x64x128xf32, #tpu.memory_space<vmem>> -> memref<64x128xf32, #tpu.memory_space<vmem>>
    %dma_start3A_87 = arith.constant 512 : i32
    %dma_start3A_88 = tpu.memref_slice %arg5[%dma_start3A_87] : memref<6400xi32, #tpu.memory_space<vmem>> -> memref<64xi32, #tpu.memory_space<vmem>>
    %dma_start3A_89 = arith.constant 0 : i32
    %dma_start3A_90 = arith.constant 0 : i32
    %dma_start3A_91 = tpu.memref_slice %arg3[%dma_start3A_89, %dma_start3A_90] : memref<100000x128xf32, #tpu.memory_space<hbm>> -> memref<100000x128xf32, #tpu.memory_space<hbm>>
    tpu.enqueue_indirect_dma source(%dma_start3A_91 : memref<100000x128xf32, #tpu.memory_space<hbm>>) target(%dma_start3A_86 : memref<64x128xf32, #tpu.memory_space<vmem>>) offsets(%dma_start3A_88 : memref<64xi32, #tpu.memory_space<vmem>>) semaphore(%arg15 : memref<!tpu.dma_semaphore, #tpu.memory_space<semaphore_mem>>)
    %dma_start3A_92 = arith.constant 9 : i32
    %dma_start3A_93 = arith.constant 0 : i32
    %dma_start3A_94 = arith.constant 0 : i32
    %dma_start3A_95 = tpu.memref_slice %arg6[%dma_start3A_92, %dma_start3A_93, %dma_start3A_94] : memref<14x64x128xf32, #tpu.memory_space<vmem>> -> memref<1x64x128xf32, #tpu.memory_space<vmem>>
    %dma_start3A_96 = tpu.memref_squeeze %dma_start3A_95 : memref<1x64x128xf32, #tpu.memory_space<vmem>> -> memref<64x128xf32, #tpu.memory_space<vmem>>
    %dma_start3A_97 = arith.constant 576 : i32
    %dma_start3A_98 = tpu.memref_slice %arg5[%dma_start3A_97] : memref<6400xi32, #tpu.memory_space<vmem>> -> memref<64xi32, #tpu.memory_space<vmem>>
    %dma_start3A_99 = arith.constant 0 : i32
    %dma_start3A_100 = arith.constant 0 : i32
    %dma_start3A_101 = tpu.memref_slice %arg3[%dma_start3A_99, %dma_start3A_100] : memref<100000x128xf32, #tpu.memory_space<hbm>> -> memref<100000x128xf32, #tpu.memory_space<hbm>>
    tpu.enqueue_indirect_dma source(%dma_start3A_101 : memref<100000x128xf32, #tpu.memory_space<hbm>>) target(%dma_start3A_96 : memref<64x128xf32, #tpu.memory_space<vmem>>) offsets(%dma_start3A_98 : memref<64xi32, #tpu.memory_space<vmem>>) semaphore(%arg16 : memref<!tpu.dma_semaphore, #tpu.memory_space<semaphore_mem>>)
    %dma_start3A_102 = arith.constant 10 : i32
    %dma_start3A_103 = arith.constant 0 : i32
    %dma_start3A_104 = arith.constant 0 : i32
    %dma_start3A_105 = tpu.memref_slice %arg6[%dma_start3A_102, %dma_start3A_103, %dma_start3A_104] : memref<14x64x128xf32, #tpu.memory_space<vmem>> -> memref<1x64x128xf32, #tpu.memory_space<vmem>>
    %dma_start3A_106 = tpu.memref_squeeze %dma_start3A_105 : memref<1x64x128xf32, #tpu.memory_space<vmem>> -> memref<64x128xf32, #tpu.memory_space<vmem>>
    %dma_start3A_107 = arith.constant 640 : i32
    %dma_start3A_108 = tpu.memref_slice %arg5[%dma_start3A_107] : memref<6400xi32, #tpu.memory_space<vmem>> -> memref<64xi32, #tpu.memory_space<vmem>>
    %dma_start3A_109 = arith.constant 0 : i32
    %dma_start3A_110 = arith.constant 0 : i32
    %dma_start3A_111 = tpu.memref_slice %arg3[%dma_start3A_109, %dma_start3A_110] : memref<100000x128xf32, #tpu.memory_space<hbm>> -> memref<100000x128xf32, #tpu.memory_space<hbm>>
    tpu.enqueue_indirect_dma source(%dma_start3A_111 : memref<100000x128xf32, #tpu.memory_space<hbm>>) target(%dma_start3A_106 : memref<64x128xf32, #tpu.memory_space<vmem>>) offsets(%dma_start3A_108 : memref<64xi32, #tpu.memory_space<vmem>>) semaphore(%arg17 : memref<!tpu.dma_semaphore, #tpu.memory_space<semaphore_mem>>)
    %dma_start3A_112 = arith.constant 11 : i32
    %dma_start3A_113 = arith.constant 0 : i32
    %dma_start3A_114 = arith.constant 0 : i32
    %dma_start3A_115 = tpu.memref_slice %arg6[%dma_start3A_112, %dma_start3A_113, %dma_start3A_114] : memref<14x64x128xf32, #tpu.memory_space<vmem>> -> memref<1x64x128xf32, #tpu.memory_space<vmem>>
    %dma_start3A_116 = tpu.memref_squeeze %dma_start3A_115 : memref<1x64x128xf32, #tpu.memory_space<vmem>> -> memref<64x128xf32, #tpu.memory_space<vmem>>
    %dma_start3A_117 = arith.constant 704 : i32
    %dma_start3A_118 = tpu.memref_slice %arg5[%dma_start3A_117] : memref<6400xi32, #tpu.memory_space<vmem>> -> memref<64xi32, #tpu.memory_space<vmem>>
    %dma_start3A_119 = arith.constant 0 : i32
    %dma_start3A_120 = arith.constant 0 : i32
    %dma_start3A_121 = tpu.memref_slice %arg3[%dma_start3A_119, %dma_start3A_120] : memref<100000x128xf32, #tpu.memory_space<hbm>> -> memref<100000x128xf32, #tpu.memory_space<hbm>>
    tpu.enqueue_indirect_dma source(%dma_start3A_121 : memref<100000x128xf32, #tpu.memory_space<hbm>>) target(%dma_start3A_116 : memref<64x128xf32, #tpu.memory_space<vmem>>) offsets(%dma_start3A_118 : memref<64xi32, #tpu.memory_space<vmem>>) semaphore(%arg18 : memref<!tpu.dma_semaphore, #tpu.memory_space<semaphore_mem>>)
    %scan3A = arith.constant 0 : i32
    %scan3A_122 = arith.constant 0 : i32
    %scan3A_123 = arith.constant 7 : i32
    %scan3A_124 = arith.addi %scan3A_122, %scan3A_123 : i32
    %scan3A_125 = arith.constant 1 : i32
    scf.for %scan3A_236 = %scan3A_122 to %scan3A_124 step %scan3A_125  : i32 {
      %mul3A_237 = arith.constant 14 : i32
      %mul3A_238 = arith.muli %scan3A_236, %mul3A_237 : i32
      %add3A_239 = arith.constant 0 : i32
      %add3A_240 = arith.addi %mul3A_238, %add3A_239 : i32
      %ge3A = arith.constant 2 : i32
      %ge3A_241 = arith.cmpi sge, %add3A_240, %ge3A : i32
      %convert_element_type3A = arith.extui %ge3A_241 : i1 to i32
      %cond3A = arith.constant 0 : i32
      %cond3A_242 = arith.cmpi ne, %convert_element_type3A, %cond3A : i32
      scf.if %cond3A_242 {
        %sub3A = arith.constant 2 : i32
        %sub3A_835 = arith.subi %add3A_240, %sub3A : i32
        %mul3A_836 = arith.constant 64 : i32
        %mul3A_837 = arith.muli %sub3A_835, %mul3A_836 : i32
        %add3A_838 = arith.addi %mul3A_2, %mul3A_837 : i32
        %dma_wait3A_839 = arith.constant 12 : i32
        %dma_wait3A_840 = arith.constant 0 : i32
        %dma_wait3A_841 = arith.constant 0 : i32
        %dma_wait3A_842 = tpu.memref_slice %arg6[%dma_wait3A_839, %dma_wait3A_840, %dma_wait3A_841] : memref<14x64x128xf32, #tpu.memory_space<vmem>> -> memref<1x64x128xf32, #tpu.memory_space<vmem>>
        %dma_wait3A_843 = tpu.memref_squeeze %dma_wait3A_842 : memref<1x64x128xf32, #tpu.memory_space<vmem>> -> memref<64x128xf32, #tpu.memory_space<vmem>>
        %dma_wait3A_844 = arith.constant 0 : i32
        %dma_wait3A_845 = tpu.memref_slice %arg4[%add3A_838, %dma_wait3A_844] : memref<204800x128xf32, #tpu.memory_space<hbm>> -> memref<64x128xf32, #tpu.memory_space<hbm>>
        %dma_wait3A_846 = arith.constant 0 : i32
        %dma_wait3A_847 = tpu.memref_slice %arg4[%add3A_838, %dma_wait3A_846] : memref<204800x128xf32, #tpu.memory_space<hbm>> -> memref<64x128xf32, #tpu.memory_space<hbm>>
        %dma_wait3A_848 = arith.constant 0 : i32
        %dma_wait3A_849 = arith.constant 0 : i32
        %dma_wait3A_850 = tpu.memref_slice %arg6[%dma_wait3A_839, %dma_wait3A_848, %dma_wait3A_849] : memref<14x64x128xf32, #tpu.memory_space<vmem>> -> memref<1x64x128xf32, #tpu.memory_space<vmem>>
        %dma_wait3A_851 = tpu.memref_squeeze %dma_wait3A_850 : memref<1x64x128xf32, #tpu.memory_space<vmem>> -> memref<64x128xf32, #tpu.memory_space<vmem>>
        tpu.wait_dma2 semaphore(%arg33 : memref<!tpu.dma_semaphore, #tpu.memory_space<semaphore_mem>>) src(%dma_wait3A_851 : memref<64x128xf32, #tpu.memory_space<vmem>>) dst(%dma_wait3A_847 : memref<64x128xf32, #tpu.memory_space<hbm>>)
      } else {
      }
      %add3A_243 = arith.constant 12 : i32
      %add3A_244 = arith.addi %add3A_240, %add3A_243 : i32
      %lt3A = arith.constant 100 : i32
      %lt3A_245 = arith.cmpi slt, %add3A_244, %lt3A : i32
      %convert_element_type3A_246 = arith.extui %lt3A_245 : i1 to i32
      %cond3A_247 = arith.constant 0 : i32
      %cond3A_248 = arith.cmpi ne, %convert_element_type3A_246, %cond3A_247 : i32
      scf.if %cond3A_248 {
        %add3A_835 = arith.constant 12 : i32
        %add3A_836 = arith.addi %add3A_240, %add3A_835 : i32
        %mul3A_837 = arith.constant 64 : i32
        %mul3A_838 = arith.muli %add3A_836, %mul3A_837 : i32
        %dma_start3A_839 = arith.constant 12 : i32
        %dma_start3A_840 = arith.constant 0 : i32
        %dma_start3A_841 = arith.constant 0 : i32
        %dma_start3A_842 = tpu.memref_slice %arg6[%dma_start3A_839, %dma_start3A_840, %dma_start3A_841] : memref<14x64x128xf32, #tpu.memory_space<vmem>> -> memref<1x64x128xf32, #tpu.memory_space<vmem>>
        %dma_start3A_843 = tpu.memref_squeeze %dma_start3A_842 : memref<1x64x128xf32, #tpu.memory_space<vmem>> -> memref<64x128xf32, #tpu.memory_space<vmem>>
        %dma_start3A_844 = tpu.memref_slice %arg5[%mul3A_838] : memref<6400xi32, #tpu.memory_space<vmem>> -> memref<64xi32, #tpu.memory_space<vmem>>
        %dma_start3A_845 = arith.constant 0 : i32
        %dma_start3A_846 = arith.constant 0 : i32
        %dma_start3A_847 = tpu.memref_slice %arg3[%dma_start3A_845, %dma_start3A_846] : memref<100000x128xf32, #tpu.memory_space<hbm>> -> memref<100000x128xf32, #tpu.memory_space<hbm>>
        tpu.enqueue_indirect_dma source(%dma_start3A_847 : memref<100000x128xf32, #tpu.memory_space<hbm>>) target(%dma_start3A_843 : memref<64x128xf32, #tpu.memory_space<vmem>>) offsets(%dma_start3A_844 : memref<64xi32, #tpu.memory_space<vmem>>) semaphore(%arg19 : memref<!tpu.dma_semaphore, #tpu.memory_space<semaphore_mem>>)
      } else {
      }
      %mul3A_249 = arith.constant 64 : i32
      %mul3A_250 = arith.muli %add3A_240, %mul3A_249 : i32
      %dma_wait3A_251 = arith.constant 0 : i32
      %dma_wait3A_252 = arith.constant 0 : i32
      %dma_wait3A_253 = arith.constant 0 : i32
      %dma_wait3A_254 = tpu.memref_slice %arg6[%dma_wait3A_251, %dma_wait3A_252, %dma_wait3A_253] : memref<14x64x128xf32, #tpu.memory_space<vmem>> -> memref<1x64x128xf32, #tpu.memory_space<vmem>>
      %dma_wait3A_255 = tpu.memref_squeeze %dma_wait3A_254 : memref<1x64x128xf32, #tpu.memory_space<vmem>> -> memref<64x128xf32, #tpu.memory_space<vmem>>
      %dma_wait3A_256 = tpu.memref_slice %arg5[%mul3A_250] : memref<6400xi32, #tpu.memory_space<vmem>> -> memref<64xi32, #tpu.memory_space<vmem>>
      %dma_wait3A_257 = arith.constant 0 : i32
      %dma_wait3A_258 = arith.constant 0 : i32
      %dma_wait3A_259 = tpu.memref_slice %arg3[%dma_wait3A_257, %dma_wait3A_258] : memref<100000x128xf32, #tpu.memory_space<hbm>> -> memref<100000x128xf32, #tpu.memory_space<hbm>>
      tpu.wait_indirect_dma semaphore(%arg7 : memref<!tpu.dma_semaphore, #tpu.memory_space<semaphore_mem>>) src(%dma_wait3A_259 : memref<100000x128xf32, #tpu.memory_space<hbm>>) dst(%dma_wait3A_255 : memref<64x128xf32, #tpu.memory_space<vmem>>)
      %mul3A_260 = arith.constant 64 : i32
      %mul3A_261 = arith.muli %add3A_240, %mul3A_260 : i32
      %add3A_262 = arith.addi %mul3A_2, %mul3A_261 : i32
      %dma_start3A_263 = arith.constant 0 : i32
      %dma_start3A_264 = arith.constant 0 : i32
      %dma_start3A_265 = arith.constant 0 : i32
      %dma_start3A_266 = tpu.memref_slice %arg6[%dma_start3A_263, %dma_start3A_264, %dma_start3A_265] : memref<14x64x128xf32, #tpu.memory_space<vmem>> -> memref<1x64x128xf32, #tpu.memory_space<vmem>>
      %dma_start3A_267 = tpu.memref_squeeze %dma_start3A_266 : memref<1x64x128xf32, #tpu.memory_space<vmem>> -> memref<64x128xf32, #tpu.memory_space<vmem>>
      %dma_start3A_268 = arith.constant 0 : i32
      %dma_start3A_269 = tpu.memref_slice %arg4[%add3A_262, %dma_start3A_268] : memref<204800x128xf32, #tpu.memory_space<hbm>> -> memref<64x128xf32, #tpu.memory_space<hbm>>
      %dma_start3A_270 = arith.constant 0 : i32
      %dma_start3A_271 = tpu.memref_slice %arg4[%add3A_262, %dma_start3A_270] : memref<204800x128xf32, #tpu.memory_space<hbm>> -> memref<64x128xf32, #tpu.memory_space<hbm>>
      %dma_start3A_272 = arith.constant 0 : i32
      %dma_start3A_273 = arith.constant 0 : i32
      %dma_start3A_274 = tpu.memref_slice %arg6[%dma_start3A_263, %dma_start3A_272, %dma_start3A_273] : memref<14x64x128xf32, #tpu.memory_space<vmem>> -> memref<1x64x128xf32, #tpu.memory_space<vmem>>
      %dma_start3A_275 = tpu.memref_squeeze %dma_start3A_274 : memref<1x64x128xf32, #tpu.memory_space<vmem>> -> memref<64x128xf32, #tpu.memory_space<vmem>>
      tpu.enqueue_dma source(%dma_start3A_275 : memref<64x128xf32, #tpu.memory_space<vmem>>) target(%dma_start3A_271 : memref<64x128xf32, #tpu.memory_space<hbm>>) target_semaphore(%arg21 : memref<!tpu.dma_semaphore, #tpu.memory_space<semaphore_mem>>)
      %mul3A_276 = arith.constant 14 : i32
      %mul3A_277 = arith.muli %scan3A_236, %mul3A_276 : i32
      %add3A_278 = arith.constant 1 : i32
      %add3A_279 = arith.addi %mul3A_277, %add3A_278 : i32
      %ge3A_280 = arith.constant 2 : i32
      %ge3A_281 = arith.cmpi sge, %add3A_279, %ge3A_280 : i32
      %convert_element_type3A_282 = arith.extui %ge3A_281 : i1 to i32
      %cond3A_283 = arith.constant 0 : i32
      %cond3A_284 = arith.cmpi ne, %convert_element_type3A_282, %cond3A_283 : i32
      scf.if %cond3A_284 {
        %sub3A = arith.constant 2 : i32
        %sub3A_835 = arith.subi %add3A_279, %sub3A : i32
        %mul3A_836 = arith.constant 64 : i32
        %mul3A_837 = arith.muli %sub3A_835, %mul3A_836 : i32
        %add3A_838 = arith.addi %mul3A_2, %mul3A_837 : i32
        %dma_wait3A_839 = arith.constant 13 : i32
        %dma_wait3A_840 = arith.constant 0 : i32
        %dma_wait3A_841 = arith.constant 0 : i32
        %dma_wait3A_842 = tpu.memref_slice %arg6[%dma_wait3A_839, %dma_wait3A_840, %dma_wait3A_841] : memref<14x64x128xf32, #tpu.memory_space<vmem>> -> memref<1x64x128xf32, #tpu.memory_space<vmem>>
        %dma_wait3A_843 = tpu.memref_squeeze %dma_wait3A_842 : memref<1x64x128xf32, #tpu.memory_space<vmem>> -> memref<64x128xf32, #tpu.memory_space<vmem>>
        %dma_wait3A_844 = arith.constant 0 : i32
        %dma_wait3A_845 = tpu.memref_slice %arg4[%add3A_838, %dma_wait3A_844] : memref<204800x128xf32, #tpu.memory_space<hbm>> -> memref<64x128xf32, #tpu.memory_space<hbm>>
        %dma_wait3A_846 = arith.constant 0 : i32
        %dma_wait3A_847 = tpu.memref_slice %arg4[%add3A_838, %dma_wait3A_846] : memref<204800x128xf32, #tpu.memory_space<hbm>> -> memref<64x128xf32, #tpu.memory_space<hbm>>
        %dma_wait3A_848 = arith.constant 0 : i32
        %dma_wait3A_849 = arith.constant 0 : i32
        %dma_wait3A_850 = tpu.memref_slice %arg6[%dma_wait3A_839, %dma_wait3A_848, %dma_wait3A_849] : memref<14x64x128xf32, #tpu.memory_space<vmem>> -> memref<1x64x128xf32, #tpu.memory_space<vmem>>
        %dma_wait3A_851 = tpu.memref_squeeze %dma_wait3A_850 : memref<1x64x128xf32, #tpu.memory_space<vmem>> -> memref<64x128xf32, #tpu.memory_space<vmem>>
        tpu.wait_dma2 semaphore(%arg34 : memref<!tpu.dma_semaphore, #tpu.memory_space<semaphore_mem>>) src(%dma_wait3A_851 : memref<64x128xf32, #tpu.memory_space<vmem>>) dst(%dma_wait3A_847 : memref<64x128xf32, #tpu.memory_space<hbm>>)
      } else {
      }
      %add3A_285 = arith.constant 12 : i32
      %add3A_286 = arith.addi %add3A_279, %add3A_285 : i32
      %lt3A_287 = arith.constant 100 : i32
      %lt3A_288 = arith.cmpi slt, %add3A_286, %lt3A_287 : i32
      %convert_element_type3A_289 = arith.extui %lt3A_288 : i1 to i32
      %cond3A_290 = arith.constant 0 : i32
      %cond3A_291 = arith.cmpi ne, %convert_element_type3A_289, %cond3A_290 : i32
      scf.if %cond3A_291 {
        %add3A_835 = arith.constant 12 : i32
        %add3A_836 = arith.addi %add3A_279, %add3A_835 : i32
        %mul3A_837 = arith.constant 64 : i32
        %mul3A_838 = arith.muli %add3A_836, %mul3A_837 : i32
        %dma_start3A_839 = arith.constant 13 : i32
        %dma_start3A_840 = arith.constant 0 : i32
        %dma_start3A_841 = arith.constant 0 : i32
        %dma_start3A_842 = tpu.memref_slice %arg6[%dma_start3A_839, %dma_start3A_840, %dma_start3A_841] : memref<14x64x128xf32, #tpu.memory_space<vmem>> -> memref<1x64x128xf32, #tpu.memory_space<vmem>>
        %dma_start3A_843 = tpu.memref_squeeze %dma_start3A_842 : memref<1x64x128xf32, #tpu.memory_space<vmem>> -> memref<64x128xf32, #tpu.memory_space<vmem>>
        %dma_start3A_844 = tpu.memref_slice %arg5[%mul3A_838] : memref<6400xi32, #tpu.memory_space<vmem>> -> memref<64xi32, #tpu.memory_space<vmem>>
        %dma_start3A_845 = arith.constant 0 : i32
        %dma_start3A_846 = arith.constant 0 : i32
        %dma_start3A_847 = tpu.memref_slice %arg3[%dma_start3A_845, %dma_start3A_846] : memref<100000x128xf32, #tpu.memory_space<hbm>> -> memref<100000x128xf32, #tpu.memory_space<hbm>>
        tpu.enqueue_indirect_dma source(%dma_start3A_847 : memref<100000x128xf32, #tpu.memory_space<hbm>>) target(%dma_start3A_843 : memref<64x128xf32, #tpu.memory_space<vmem>>) offsets(%dma_start3A_844 : memref<64xi32, #tpu.memory_space<vmem>>) semaphore(%arg20 : memref<!tpu.dma_semaphore, #tpu.memory_space<semaphore_mem>>)
      } else {
      }
      %mul3A_292 = arith.constant 64 : i32
      %mul3A_293 = arith.muli %add3A_279, %mul3A_292 : i32
      %dma_wait3A_294 = arith.constant 1 : i32
      %dma_wait3A_295 = arith.constant 0 : i32
      %dma_wait3A_296 = arith.constant 0 : i32
      %dma_wait3A_297 = tpu.memref_slice %arg6[%dma_wait3A_294, %dma_wait3A_295, %dma_wait3A_296] : memref<14x64x128xf32, #tpu.memory_space<vmem>> -> memref<1x64x128xf32, #tpu.memory_space<vmem>>
      %dma_wait3A_298 = tpu.memref_squeeze %dma_wait3A_297 : memref<1x64x128xf32, #tpu.memory_space<vmem>> -> memref<64x128xf32, #tpu.memory_space<vmem>>
      %dma_wait3A_299 = tpu.memref_slice %arg5[%mul3A_293] : memref<6400xi32, #tpu.memory_space<vmem>> -> memref<64xi32, #tpu.memory_space<vmem>>
      %dma_wait3A_300 = arith.constant 0 : i32
      %dma_wait3A_301 = arith.constant 0 : i32
      %dma_wait3A_302 = tpu.memref_slice %arg3[%dma_wait3A_300, %dma_wait3A_301] : memref<100000x128xf32, #tpu.memory_space<hbm>> -> memref<100000x128xf32, #tpu.memory_space<hbm>>
      tpu.wait_indirect_dma semaphore(%arg8 : memref<!tpu.dma_semaphore, #tpu.memory_space<semaphore_mem>>) src(%dma_wait3A_302 : memref<100000x128xf32, #tpu.memory_space<hbm>>) dst(%dma_wait3A_298 : memref<64x128xf32, #tpu.memory_space<vmem>>)
      %mul3A_303 = arith.constant 64 : i32
      %mul3A_304 = arith.muli %add3A_279, %mul3A_303 : i32
      %add3A_305 = arith.addi %mul3A_2, %mul3A_304 : i32
      %dma_start3A_306 = arith.constant 1 : i32
      %dma_start3A_307 = arith.constant 0 : i32
      %dma_start3A_308 = arith.constant 0 : i32
      %dma_start3A_309 = tpu.memref_slice %arg6[%dma_start3A_306, %dma_start3A_307, %dma_start3A_308] : memref<14x64x128xf32, #tpu.memory_space<vmem>> -> memref<1x64x128xf32, #tpu.memory_space<vmem>>
      %dma_start3A_310 = tpu.memref_squeeze %dma_start3A_309 : memref<1x64x128xf32, #tpu.memory_space<vmem>> -> memref<64x128xf32, #tpu.memory_space<vmem>>
      %dma_start3A_311 = arith.constant 0 : i32
      %dma_start3A_312 = tpu.memref_slice %arg4[%add3A_305, %dma_start3A_311] : memref<204800x128xf32, #tpu.memory_space<hbm>> -> memref<64x128xf32, #tpu.memory_space<hbm>>
      %dma_start3A_313 = arith.constant 0 : i32
      %dma_start3A_314 = tpu.memref_slice %arg4[%add3A_305, %dma_start3A_313] : memref<204800x128xf32, #tpu.memory_space<hbm>> -> memref<64x128xf32, #tpu.memory_space<hbm>>
      %dma_start3A_315 = arith.constant 0 : i32
      %dma_start3A_316 = arith.constant 0 : i32
      %dma_start3A_317 = tpu.memref_slice %arg6[%dma_start3A_306, %dma_start3A_315, %dma_start3A_316] : memref<14x64x128xf32, #tpu.memory_space<vmem>> -> memref<1x64x128xf32, #tpu.memory_space<vmem>>
      %dma_start3A_318 = tpu.memref_squeeze %dma_start3A_317 : memref<1x64x128xf32, #tpu.memory_space<vmem>> -> memref<64x128xf32, #tpu.memory_space<vmem>>
      tpu.enqueue_dma source(%dma_start3A_318 : memref<64x128xf32, #tpu.memory_space<vmem>>) target(%dma_start3A_314 : memref<64x128xf32, #tpu.memory_space<hbm>>) target_semaphore(%arg22 : memref<!tpu.dma_semaphore, #tpu.memory_space<semaphore_mem>>)
      %mul3A_319 = arith.constant 14 : i32
      %mul3A_320 = arith.muli %scan3A_236, %mul3A_319 : i32
      %add3A_321 = arith.constant 2 : i32
      %add3A_322 = arith.addi %mul3A_320, %add3A_321 : i32
      %ge3A_323 = arith.constant 2 : i32
      %ge3A_324 = arith.cmpi sge, %add3A_322, %ge3A_323 : i32
      %convert_element_type3A_325 = arith.extui %ge3A_324 : i1 to i32
      %cond3A_326 = arith.constant 0 : i32
      %cond3A_327 = arith.cmpi ne, %convert_element_type3A_325, %cond3A_326 : i32
      scf.if %cond3A_327 {
        %sub3A = arith.constant 2 : i32
        %sub3A_835 = arith.subi %add3A_322, %sub3A : i32
        %mul3A_836 = arith.constant 64 : i32
        %mul3A_837 = arith.muli %sub3A_835, %mul3A_836 : i32
        %add3A_838 = arith.addi %mul3A_2, %mul3A_837 : i32
        %dma_wait3A_839 = arith.constant 0 : i32
        %dma_wait3A_840 = arith.constant 0 : i32
        %dma_wait3A_841 = arith.constant 0 : i32
        %dma_wait3A_842 = tpu.memref_slice %arg6[%dma_wait3A_839, %dma_wait3A_840, %dma_wait3A_841] : memref<14x64x128xf32, #tpu.memory_space<vmem>> -> memref<1x64x128xf32, #tpu.memory_space<vmem>>
        %dma_wait3A_843 = tpu.memref_squeeze %dma_wait3A_842 : memref<1x64x128xf32, #tpu.memory_space<vmem>> -> memref<64x128xf32, #tpu.memory_space<vmem>>
        %dma_wait3A_844 = arith.constant 0 : i32
        %dma_wait3A_845 = tpu.memref_slice %arg4[%add3A_838, %dma_wait3A_844] : memref<204800x128xf32, #tpu.memory_space<hbm>> -> memref<64x128xf32, #tpu.memory_space<hbm>>
        %dma_wait3A_846 = arith.constant 0 : i32
        %dma_wait3A_847 = tpu.memref_slice %arg4[%add3A_838, %dma_wait3A_846] : memref<204800x128xf32, #tpu.memory_space<hbm>> -> memref<64x128xf32, #tpu.memory_space<hbm>>
        %dma_wait3A_848 = arith.constant 0 : i32
        %dma_wait3A_849 = arith.constant 0 : i32
        %dma_wait3A_850 = tpu.memref_slice %arg6[%dma_wait3A_839, %dma_wait3A_848, %dma_wait3A_849] : memref<14x64x128xf32, #tpu.memory_space<vmem>> -> memref<1x64x128xf32, #tpu.memory_space<vmem>>
        %dma_wait3A_851 = tpu.memref_squeeze %dma_wait3A_850 : memref<1x64x128xf32, #tpu.memory_space<vmem>> -> memref<64x128xf32, #tpu.memory_space<vmem>>
        tpu.wait_dma2 semaphore(%arg21 : memref<!tpu.dma_semaphore, #tpu.memory_space<semaphore_mem>>) src(%dma_wait3A_851 : memref<64x128xf32, #tpu.memory_space<vmem>>) dst(%dma_wait3A_847 : memref<64x128xf32, #tpu.memory_space<hbm>>)
      } else {
      }
      %add3A_328 = arith.constant 12 : i32
      %add3A_329 = arith.addi %add3A_322, %add3A_328 : i32
      %lt3A_330 = arith.constant 100 : i32
      %lt3A_331 = arith.cmpi slt, %add3A_329, %lt3A_330 : i32
      %convert_element_type3A_332 = arith.extui %lt3A_331 : i1 to i32
      %cond3A_333 = arith.constant 0 : i32
      %cond3A_334 = arith.cmpi ne, %convert_element_type3A_332, %cond3A_333 : i32
      scf.if %cond3A_334 {
        %add3A_835 = arith.constant 12 : i32
        %add3A_836 = arith.addi %add3A_322, %add3A_835 : i32
        %mul3A_837 = arith.constant 64 : i32
        %mul3A_838 = arith.muli %add3A_836, %mul3A_837 : i32
        %dma_start3A_839 = arith.constant 0 : i32
        %dma_start3A_840 = arith.constant 0 : i32
        %dma_start3A_841 = arith.constant 0 : i32
        %dma_start3A_842 = tpu.memref_slice %arg6[%dma_start3A_839, %dma_start3A_840, %dma_start3A_841] : memref<14x64x128xf32, #tpu.memory_space<vmem>> -> memref<1x64x128xf32, #tpu.memory_space<vmem>>
        %dma_start3A_843 = tpu.memref_squeeze %dma_start3A_842 : memref<1x64x128xf32, #tpu.memory_space<vmem>> -> memref<64x128xf32, #tpu.memory_space<vmem>>
        %dma_start3A_844 = tpu.memref_slice %arg5[%mul3A_838] : memref<6400xi32, #tpu.memory_space<vmem>> -> memref<64xi32, #tpu.memory_space<vmem>>
        %dma_start3A_845 = arith.constant 0 : i32
        %dma_start3A_846 = arith.constant 0 : i32
        %dma_start3A_847 = tpu.memref_slice %arg3[%dma_start3A_845, %dma_start3A_846] : memref<100000x128xf32, #tpu.memory_space<hbm>> -> memref<100000x128xf32, #tpu.memory_space<hbm>>
        tpu.enqueue_indirect_dma source(%dma_start3A_847 : memref<100000x128xf32, #tpu.memory_space<hbm>>) target(%dma_start3A_843 : memref<64x128xf32, #tpu.memory_space<vmem>>) offsets(%dma_start3A_844 : memref<64xi32, #tpu.memory_space<vmem>>) semaphore(%arg7 : memref<!tpu.dma_semaphore, #tpu.memory_space<semaphore_mem>>)
      } else {
      }
      %mul3A_335 = arith.constant 64 : i32
      %mul3A_336 = arith.muli %add3A_322, %mul3A_335 : i32
      %dma_wait3A_337 = arith.constant 2 : i32
      %dma_wait3A_338 = arith.constant 0 : i32
      %dma_wait3A_339 = arith.constant 0 : i32
      %dma_wait3A_340 = tpu.memref_slice %arg6[%dma_wait3A_337, %dma_wait3A_338, %dma_wait3A_339] : memref<14x64x128xf32, #tpu.memory_space<vmem>> -> memref<1x64x128xf32, #tpu.memory_space<vmem>>
      %dma_wait3A_341 = tpu.memref_squeeze %dma_wait3A_340 : memref<1x64x128xf32, #tpu.memory_space<vmem>> -> memref<64x128xf32, #tpu.memory_space<vmem>>
      %dma_wait3A_342 = tpu.memref_slice %arg5[%mul3A_336] : memref<6400xi32, #tpu.memory_space<vmem>> -> memref<64xi32, #tpu.memory_space<vmem>>
      %dma_wait3A_343 = arith.constant 0 : i32
      %dma_wait3A_344 = arith.constant 0 : i32
      %dma_wait3A_345 = tpu.memref_slice %arg3[%dma_wait3A_343, %dma_wait3A_344] : memref<100000x128xf32, #tpu.memory_space<hbm>> -> memref<100000x128xf32, #tpu.memory_space<hbm>>
      tpu.wait_indirect_dma semaphore(%arg9 : memref<!tpu.dma_semaphore, #tpu.memory_space<semaphore_mem>>) src(%dma_wait3A_345 : memref<100000x128xf32, #tpu.memory_space<hbm>>) dst(%dma_wait3A_341 : memref<64x128xf32, #tpu.memory_space<vmem>>)
      %mul3A_346 = arith.constant 64 : i32
      %mul3A_347 = arith.muli %add3A_322, %mul3A_346 : i32
      %add3A_348 = arith.addi %mul3A_2, %mul3A_347 : i32
      %dma_start3A_349 = arith.constant 2 : i32
      %dma_start3A_350 = arith.constant 0 : i32
      %dma_start3A_351 = arith.constant 0 : i32
      %dma_start3A_352 = tpu.memref_slice %arg6[%dma_start3A_349, %dma_start3A_350, %dma_start3A_351] : memref<14x64x128xf32, #tpu.memory_space<vmem>> -> memref<1x64x128xf32, #tpu.memory_space<vmem>>
      %dma_start3A_353 = tpu.memref_squeeze %dma_start3A_352 : memref<1x64x128xf32, #tpu.memory_space<vmem>> -> memref<64x128xf32, #tpu.memory_space<vmem>>
      %dma_start3A_354 = arith.constant 0 : i32
      %dma_start3A_355 = tpu.memref_slice %arg4[%add3A_348, %dma_start3A_354] : memref<204800x128xf32, #tpu.memory_space<hbm>> -> memref<64x128xf32, #tpu.memory_space<hbm>>
      %dma_start3A_356 = arith.constant 0 : i32
      %dma_start3A_357 = tpu.memref_slice %arg4[%add3A_348, %dma_start3A_356] : memref<204800x128xf32, #tpu.memory_space<hbm>> -> memref<64x128xf32, #tpu.memory_space<hbm>>
      %dma_start3A_358 = arith.constant 0 : i32
      %dma_start3A_359 = arith.constant 0 : i32
      %dma_start3A_360 = tpu.memref_slice %arg6[%dma_start3A_349, %dma_start3A_358, %dma_start3A_359] : memref<14x64x128xf32, #tpu.memory_space<vmem>> -> memref<1x64x128xf32, #tpu.memory_space<vmem>>
      %dma_start3A_361 = tpu.memref_squeeze %dma_start3A_360 : memref<1x64x128xf32, #tpu.memory_space<vmem>> -> memref<64x128xf32, #tpu.memory_space<vmem>>
      tpu.enqueue_dma source(%dma_start3A_361 : memref<64x128xf32, #tpu.memory_space<vmem>>) target(%dma_start3A_357 : memref<64x128xf32, #tpu.memory_space<hbm>>) target_semaphore(%arg23 : memref<!tpu.dma_semaphore, #tpu.memory_space<semaphore_mem>>)
      %mul3A_362 = arith.constant 14 : i32
      %mul3A_363 = arith.muli %scan3A_236, %mul3A_362 : i32
      %add3A_364 = arith.constant 3 : i32
      %add3A_365 = arith.addi %mul3A_363, %add3A_364 : i32
      %ge3A_366 = arith.constant 2 : i32
      %ge3A_367 = arith.cmpi sge, %add3A_365, %ge3A_366 : i32
      %convert_element_type3A_368 = arith.extui %ge3A_367 : i1 to i32
      %cond3A_369 = arith.constant 0 : i32
      %cond3A_370 = arith.cmpi ne, %convert_element_type3A_368, %cond3A_369 : i32
      scf.if %cond3A_370 {
        %sub3A = arith.constant 2 : i32
        %sub3A_835 = arith.subi %add3A_365, %sub3A : i32
        %mul3A_836 = arith.constant 64 : i32
        %mul3A_837 = arith.muli %sub3A_835, %mul3A_836 : i32
        %add3A_838 = arith.addi %mul3A_2, %mul3A_837 : i32
        %dma_wait3A_839 = arith.constant 1 : i32
        %dma_wait3A_840 = arith.constant 0 : i32
        %dma_wait3A_841 = arith.constant 0 : i32
        %dma_wait3A_842 = tpu.memref_slice %arg6[%dma_wait3A_839, %dma_wait3A_840, %dma_wait3A_841] : memref<14x64x128xf32, #tpu.memory_space<vmem>> -> memref<1x64x128xf32, #tpu.memory_space<vmem>>
        %dma_wait3A_843 = tpu.memref_squeeze %dma_wait3A_842 : memref<1x64x128xf32, #tpu.memory_space<vmem>> -> memref<64x128xf32, #tpu.memory_space<vmem>>
        %dma_wait3A_844 = arith.constant 0 : i32
        %dma_wait3A_845 = tpu.memref_slice %arg4[%add3A_838, %dma_wait3A_844] : memref<204800x128xf32, #tpu.memory_space<hbm>> -> memref<64x128xf32, #tpu.memory_space<hbm>>
        %dma_wait3A_846 = arith.constant 0 : i32
        %dma_wait3A_847 = tpu.memref_slice %arg4[%add3A_838, %dma_wait3A_846] : memref<204800x128xf32, #tpu.memory_space<hbm>> -> memref<64x128xf32, #tpu.memory_space<hbm>>
        %dma_wait3A_848 = arith.constant 0 : i32
        %dma_wait3A_849 = arith.constant 0 : i32
        %dma_wait3A_850 = tpu.memref_slice %arg6[%dma_wait3A_839, %dma_wait3A_848, %dma_wait3A_849] : memref<14x64x128xf32, #tpu.memory_space<vmem>> -> memref<1x64x128xf32, #tpu.memory_space<vmem>>
        %dma_wait3A_851 = tpu.memref_squeeze %dma_wait3A_850 : memref<1x64x128xf32, #tpu.memory_space<vmem>> -> memref<64x128xf32, #tpu.memory_space<vmem>>
        tpu.wait_dma2 semaphore(%arg22 : memref<!tpu.dma_semaphore, #tpu.memory_space<semaphore_mem>>) src(%dma_wait3A_851 : memref<64x128xf32, #tpu.memory_space<vmem>>) dst(%dma_wait3A_847 : memref<64x128xf32, #tpu.memory_space<hbm>>)
      } else {
      }
      %add3A_371 = arith.constant 12 : i32
      %add3A_372 = arith.addi %add3A_365, %add3A_371 : i32
      %lt3A_373 = arith.constant 100 : i32
      %lt3A_374 = arith.cmpi slt, %add3A_372, %lt3A_373 : i32
      %convert_element_type3A_375 = arith.extui %lt3A_374 : i1 to i32
      %cond3A_376 = arith.constant 0 : i32
      %cond3A_377 = arith.cmpi ne, %convert_element_type3A_375, %cond3A_376 : i32
      scf.if %cond3A_377 {
        %add3A_835 = arith.constant 12 : i32
        %add3A_836 = arith.addi %add3A_365, %add3A_835 : i32
        %mul3A_837 = arith.constant 64 : i32
        %mul3A_838 = arith.muli %add3A_836, %mul3A_837 : i32
        %dma_start3A_839 = arith.constant 1 : i32
        %dma_start3A_840 = arith.constant 0 : i32
        %dma_start3A_841 = arith.constant 0 : i32
        %dma_start3A_842 = tpu.memref_slice %arg6[%dma_start3A_839, %dma_start3A_840, %dma_start3A_841] : memref<14x64x128xf32, #tpu.memory_space<vmem>> -> memref<1x64x128xf32, #tpu.memory_space<vmem>>
        %dma_start3A_843 = tpu.memref_squeeze %dma_start3A_842 : memref<1x64x128xf32, #tpu.memory_space<vmem>> -> memref<64x128xf32, #tpu.memory_space<vmem>>
        %dma_start3A_844 = tpu.memref_slice %arg5[%mul3A_838] : memref<6400xi32, #tpu.memory_space<vmem>> -> memref<64xi32, #tpu.memory_space<vmem>>
        %dma_start3A_845 = arith.constant 0 : i32
        %dma_start3A_846 = arith.constant 0 : i32
        %dma_start3A_847 = tpu.memref_slice %arg3[%dma_start3A_845, %dma_start3A_846] : memref<100000x128xf32, #tpu.memory_space<hbm>> -> memref<100000x128xf32, #tpu.memory_space<hbm>>
        tpu.enqueue_indirect_dma source(%dma_start3A_847 : memref<100000x128xf32, #tpu.memory_space<hbm>>) target(%dma_start3A_843 : memref<64x128xf32, #tpu.memory_space<vmem>>) offsets(%dma_start3A_844 : memref<64xi32, #tpu.memory_space<vmem>>) semaphore(%arg8 : memref<!tpu.dma_semaphore, #tpu.memory_space<semaphore_mem>>)
      } else {
      }
      %mul3A_378 = arith.constant 64 : i32
      %mul3A_379 = arith.muli %add3A_365, %mul3A_378 : i32
      %dma_wait3A_380 = arith.constant 3 : i32
      %dma_wait3A_381 = arith.constant 0 : i32
      %dma_wait3A_382 = arith.constant 0 : i32
      %dma_wait3A_383 = tpu.memref_slice %arg6[%dma_wait3A_380, %dma_wait3A_381, %dma_wait3A_382] : memref<14x64x128xf32, #tpu.memory_space<vmem>> -> memref<1x64x128xf32, #tpu.memory_space<vmem>>
      %dma_wait3A_384 = tpu.memref_squeeze %dma_wait3A_383 : memref<1x64x128xf32, #tpu.memory_space<vmem>> -> memref<64x128xf32, #tpu.memory_space<vmem>>
      %dma_wait3A_385 = tpu.memref_slice %arg5[%mul3A_379] : memref<6400xi32, #tpu.memory_space<vmem>> -> memref<64xi32, #tpu.memory_space<vmem>>
      %dma_wait3A_386 = arith.constant 0 : i32
      %dma_wait3A_387 = arith.constant 0 : i32
      %dma_wait3A_388 = tpu.memref_slice %arg3[%dma_wait3A_386, %dma_wait3A_387] : memref<100000x128xf32, #tpu.memory_space<hbm>> -> memref<100000x128xf32, #tpu.memory_space<hbm>>
      tpu.wait_indirect_dma semaphore(%arg10 : memref<!tpu.dma_semaphore, #tpu.memory_space<semaphore_mem>>) src(%dma_wait3A_388 : memref<100000x128xf32, #tpu.memory_space<hbm>>) dst(%dma_wait3A_384 : memref<64x128xf32, #tpu.memory_space<vmem>>)
      %mul3A_389 = arith.constant 64 : i32
      %mul3A_390 = arith.muli %add3A_365, %mul3A_389 : i32
      %add3A_391 = arith.addi %mul3A_2, %mul3A_390 : i32
      %dma_start3A_392 = arith.constant 3 : i32
      %dma_start3A_393 = arith.constant 0 : i32
      %dma_start3A_394 = arith.constant 0 : i32
      %dma_start3A_395 = tpu.memref_slice %arg6[%dma_start3A_392, %dma_start3A_393, %dma_start3A_394] : memref<14x64x128xf32, #tpu.memory_space<vmem>> -> memref<1x64x128xf32, #tpu.memory_space<vmem>>
      %dma_start3A_396 = tpu.memref_squeeze %dma_start3A_395 : memref<1x64x128xf32, #tpu.memory_space<vmem>> -> memref<64x128xf32, #tpu.memory_space<vmem>>
      %dma_start3A_397 = arith.constant 0 : i32
      %dma_start3A_398 = tpu.memref_slice %arg4[%add3A_391, %dma_start3A_397] : memref<204800x128xf32, #tpu.memory_space<hbm>> -> memref<64x128xf32, #tpu.memory_space<hbm>>
      %dma_start3A_399 = arith.constant 0 : i32
      %dma_start3A_400 = tpu.memref_slice %arg4[%add3A_391, %dma_start3A_399] : memref<204800x128xf32, #tpu.memory_space<hbm>> -> memref<64x128xf32, #tpu.memory_space<hbm>>
      %dma_start3A_401 = arith.constant 0 : i32
      %dma_start3A_402 = arith.constant 0 : i32
      %dma_start3A_403 = tpu.memref_slice %arg6[%dma_start3A_392, %dma_start3A_401, %dma_start3A_402] : memref<14x64x128xf32, #tpu.memory_space<vmem>> -> memref<1x64x128xf32, #tpu.memory_space<vmem>>
      %dma_start3A_404 = tpu.memref_squeeze %dma_start3A_403 : memref<1x64x128xf32, #tpu.memory_space<vmem>> -> memref<64x128xf32, #tpu.memory_space<vmem>>
      tpu.enqueue_dma source(%dma_start3A_404 : memref<64x128xf32, #tpu.memory_space<vmem>>) target(%dma_start3A_400 : memref<64x128xf32, #tpu.memory_space<hbm>>) target_semaphore(%arg24 : memref<!tpu.dma_semaphore, #tpu.memory_space<semaphore_mem>>)
      %mul3A_405 = arith.constant 14 : i32
      %mul3A_406 = arith.muli %scan3A_236, %mul3A_405 : i32
      %add3A_407 = arith.constant 4 : i32
      %add3A_408 = arith.addi %mul3A_406, %add3A_407 : i32
      %ge3A_409 = arith.constant 2 : i32
      %ge3A_410 = arith.cmpi sge, %add3A_408, %ge3A_409 : i32
      %convert_element_type3A_411 = arith.extui %ge3A_410 : i1 to i32
      %cond3A_412 = arith.constant 0 : i32
      %cond3A_413 = arith.cmpi ne, %convert_element_type3A_411, %cond3A_412 : i32
      scf.if %cond3A_413 {
        %sub3A = arith.constant 2 : i32
        %sub3A_835 = arith.subi %add3A_408, %sub3A : i32
        %mul3A_836 = arith.constant 64 : i32
        %mul3A_837 = arith.muli %sub3A_835, %mul3A_836 : i32
        %add3A_838 = arith.addi %mul3A_2, %mul3A_837 : i32
        %dma_wait3A_839 = arith.constant 2 : i32
        %dma_wait3A_840 = arith.constant 0 : i32
        %dma_wait3A_841 = arith.constant 0 : i32
        %dma_wait3A_842 = tpu.memref_slice %arg6[%dma_wait3A_839, %dma_wait3A_840, %dma_wait3A_841] : memref<14x64x128xf32, #tpu.memory_space<vmem>> -> memref<1x64x128xf32, #tpu.memory_space<vmem>>
        %dma_wait3A_843 = tpu.memref_squeeze %dma_wait3A_842 : memref<1x64x128xf32, #tpu.memory_space<vmem>> -> memref<64x128xf32, #tpu.memory_space<vmem>>
        %dma_wait3A_844 = arith.constant 0 : i32
        %dma_wait3A_845 = tpu.memref_slice %arg4[%add3A_838, %dma_wait3A_844] : memref<204800x128xf32, #tpu.memory_space<hbm>> -> memref<64x128xf32, #tpu.memory_space<hbm>>
        %dma_wait3A_846 = arith.constant 0 : i32
        %dma_wait3A_847 = tpu.memref_slice %arg4[%add3A_838, %dma_wait3A_846] : memref<204800x128xf32, #tpu.memory_space<hbm>> -> memref<64x128xf32, #tpu.memory_space<hbm>>
        %dma_wait3A_848 = arith.constant 0 : i32
        %dma_wait3A_849 = arith.constant 0 : i32
        %dma_wait3A_850 = tpu.memref_slice %arg6[%dma_wait3A_839, %dma_wait3A_848, %dma_wait3A_849] : memref<14x64x128xf32, #tpu.memory_space<vmem>> -> memref<1x64x128xf32, #tpu.memory_space<vmem>>
        %dma_wait3A_851 = tpu.memref_squeeze %dma_wait3A_850 : memref<1x64x128xf32, #tpu.memory_space<vmem>> -> memref<64x128xf32, #tpu.memory_space<vmem>>
        tpu.wait_dma2 semaphore(%arg23 : memref<!tpu.dma_semaphore, #tpu.memory_space<semaphore_mem>>) src(%dma_wait3A_851 : memref<64x128xf32, #tpu.memory_space<vmem>>) dst(%dma_wait3A_847 : memref<64x128xf32, #tpu.memory_space<hbm>>)
      } else {
      }
      %add3A_414 = arith.constant 12 : i32
      %add3A_415 = arith.addi %add3A_408, %add3A_414 : i32
      %lt3A_416 = arith.constant 100 : i32
      %lt3A_417 = arith.cmpi slt, %add3A_415, %lt3A_416 : i32
      %convert_element_type3A_418 = arith.extui %lt3A_417 : i1 to i32
      %cond3A_419 = arith.constant 0 : i32
      %cond3A_420 = arith.cmpi ne, %convert_element_type3A_418, %cond3A_419 : i32
      scf.if %cond3A_420 {
        %add3A_835 = arith.constant 12 : i32
        %add3A_836 = arith.addi %add3A_408, %add3A_835 : i32
        %mul3A_837 = arith.constant 64 : i32
        %mul3A_838 = arith.muli %add3A_836, %mul3A_837 : i32
        %dma_start3A_839 = arith.constant 2 : i32
        %dma_start3A_840 = arith.constant 0 : i32
        %dma_start3A_841 = arith.constant 0 : i32
        %dma_start3A_842 = tpu.memref_slice %arg6[%dma_start3A_839, %dma_start3A_840, %dma_start3A_841] : memref<14x64x128xf32, #tpu.memory_space<vmem>> -> memref<1x64x128xf32, #tpu.memory_space<vmem>>
        %dma_start3A_843 = tpu.memref_squeeze %dma_start3A_842 : memref<1x64x128xf32, #tpu.memory_space<vmem>> -> memref<64x128xf32, #tpu.memory_space<vmem>>
        %dma_start3A_844 = tpu.memref_slice %arg5[%mul3A_838] : memref<6400xi32, #tpu.memory_space<vmem>> -> memref<64xi32, #tpu.memory_space<vmem>>
        %dma_start3A_845 = arith.constant 0 : i32
        %dma_start3A_846 = arith.constant 0 : i32
        %dma_start3A_847 = tpu.memref_slice %arg3[%dma_start3A_845, %dma_start3A_846] : memref<100000x128xf32, #tpu.memory_space<hbm>> -> memref<100000x128xf32, #tpu.memory_space<hbm>>
        tpu.enqueue_indirect_dma source(%dma_start3A_847 : memref<100000x128xf32, #tpu.memory_space<hbm>>) target(%dma_start3A_843 : memref<64x128xf32, #tpu.memory_space<vmem>>) offsets(%dma_start3A_844 : memref<64xi32, #tpu.memory_space<vmem>>) semaphore(%arg9 : memref<!tpu.dma_semaphore, #tpu.memory_space<semaphore_mem>>)
      } else {
      }
      %mul3A_421 = arith.constant 64 : i32
      %mul3A_422 = arith.muli %add3A_408, %mul3A_421 : i32
      %dma_wait3A_423 = arith.constant 4 : i32
      %dma_wait3A_424 = arith.constant 0 : i32
      %dma_wait3A_425 = arith.constant 0 : i32
      %dma_wait3A_426 = tpu.memref_slice %arg6[%dma_wait3A_423, %dma_wait3A_424, %dma_wait3A_425] : memref<14x64x128xf32, #tpu.memory_space<vmem>> -> memref<1x64x128xf32, #tpu.memory_space<vmem>>
      %dma_wait3A_427 = tpu.memref_squeeze %dma_wait3A_426 : memref<1x64x128xf32, #tpu.memory_space<vmem>> -> memref<64x128xf32, #tpu.memory_space<vmem>>
      %dma_wait3A_428 = tpu.memref_slice %arg5[%mul3A_422] : memref<6400xi32, #tpu.memory_space<vmem>> -> memref<64xi32, #tpu.memory_space<vmem>>
      %dma_wait3A_429 = arith.constant 0 : i32
      %dma_wait3A_430 = arith.constant 0 : i32
      %dma_wait3A_431 = tpu.memref_slice %arg3[%dma_wait3A_429, %dma_wait3A_430] : memref<100000x128xf32, #tpu.memory_space<hbm>> -> memref<100000x128xf32, #tpu.memory_space<hbm>>
      tpu.wait_indirect_dma semaphore(%arg11 : memref<!tpu.dma_semaphore, #tpu.memory_space<semaphore_mem>>) src(%dma_wait3A_431 : memref<100000x128xf32, #tpu.memory_space<hbm>>) dst(%dma_wait3A_427 : memref<64x128xf32, #tpu.memory_space<vmem>>)
      %mul3A_432 = arith.constant 64 : i32
      %mul3A_433 = arith.muli %add3A_408, %mul3A_432 : i32
      %add3A_434 = arith.addi %mul3A_2, %mul3A_433 : i32
      %dma_start3A_435 = arith.constant 4 : i32
      %dma_start3A_436 = arith.constant 0 : i32
      %dma_start3A_437 = arith.constant 0 : i32
      %dma_start3A_438 = tpu.memref_slice %arg6[%dma_start3A_435, %dma_start3A_436, %dma_start3A_437] : memref<14x64x128xf32, #tpu.memory_space<vmem>> -> memref<1x64x128xf32, #tpu.memory_space<vmem>>
      %dma_start3A_439 = tpu.memref_squeeze %dma_start3A_438 : memref<1x64x128xf32, #tpu.memory_space<vmem>> -> memref<64x128xf32, #tpu.memory_space<vmem>>
      %dma_start3A_440 = arith.constant 0 : i32
      %dma_start3A_441 = tpu.memref_slice %arg4[%add3A_434, %dma_start3A_440] : memref<204800x128xf32, #tpu.memory_space<hbm>> -> memref<64x128xf32, #tpu.memory_space<hbm>>
      %dma_start3A_442 = arith.constant 0 : i32
      %dma_start3A_443 = tpu.memref_slice %arg4[%add3A_434, %dma_start3A_442] : memref<204800x128xf32, #tpu.memory_space<hbm>> -> memref<64x128xf32, #tpu.memory_space<hbm>>
      %dma_start3A_444 = arith.constant 0 : i32
      %dma_start3A_445 = arith.constant 0 : i32
      %dma_start3A_446 = tpu.memref_slice %arg6[%dma_start3A_435, %dma_start3A_444, %dma_start3A_445] : memref<14x64x128xf32, #tpu.memory_space<vmem>> -> memref<1x64x128xf32, #tpu.memory_space<vmem>>
      %dma_start3A_447 = tpu.memref_squeeze %dma_start3A_446 : memref<1x64x128xf32, #tpu.memory_space<vmem>> -> memref<64x128xf32, #tpu.memory_space<vmem>>
      tpu.enqueue_dma source(%dma_start3A_447 : memref<64x128xf32, #tpu.memory_space<vmem>>) target(%dma_start3A_443 : memref<64x128xf32, #tpu.memory_space<hbm>>) target_semaphore(%arg25 : memref<!tpu.dma_semaphore, #tpu.memory_space<semaphore_mem>>)
      %mul3A_448 = arith.constant 14 : i32
      %mul3A_449 = arith.muli %scan3A_236, %mul3A_448 : i32
      %add3A_450 = arith.constant 5 : i32
      %add3A_451 = arith.addi %mul3A_449, %add3A_450 : i32
      %ge3A_452 = arith.constant 2 : i32
      %ge3A_453 = arith.cmpi sge, %add3A_451, %ge3A_452 : i32
      %convert_element_type3A_454 = arith.extui %ge3A_453 : i1 to i32
      %cond3A_455 = arith.constant 0 : i32
      %cond3A_456 = arith.cmpi ne, %convert_element_type3A_454, %cond3A_455 : i32
      scf.if %cond3A_456 {
        %sub3A = arith.constant 2 : i32
        %sub3A_835 = arith.subi %add3A_451, %sub3A : i32
        %mul3A_836 = arith.constant 64 : i32
        %mul3A_837 = arith.muli %sub3A_835, %mul3A_836 : i32
        %add3A_838 = arith.addi %mul3A_2, %mul3A_837 : i32
        %dma_wait3A_839 = arith.constant 3 : i32
        %dma_wait3A_840 = arith.constant 0 : i32
        %dma_wait3A_841 = arith.constant 0 : i32
        %dma_wait3A_842 = tpu.memref_slice %arg6[%dma_wait3A_839, %dma_wait3A_840, %dma_wait3A_841] : memref<14x64x128xf32, #tpu.memory_space<vmem>> -> memref<1x64x128xf32, #tpu.memory_space<vmem>>
        %dma_wait3A_843 = tpu.memref_squeeze %dma_wait3A_842 : memref<1x64x128xf32, #tpu.memory_space<vmem>> -> memref<64x128xf32, #tpu.memory_space<vmem>>
        %dma_wait3A_844 = arith.constant 0 : i32
        %dma_wait3A_845 = tpu.memref_slice %arg4[%add3A_838, %dma_wait3A_844] : memref<204800x128xf32, #tpu.memory_space<hbm>> -> memref<64x128xf32, #tpu.memory_space<hbm>>
        %dma_wait3A_846 = arith.constant 0 : i32
        %dma_wait3A_847 = tpu.memref_slice %arg4[%add3A_838, %dma_wait3A_846] : memref<204800x128xf32, #tpu.memory_space<hbm>> -> memref<64x128xf32, #tpu.memory_space<hbm>>
        %dma_wait3A_848 = arith.constant 0 : i32
        %dma_wait3A_849 = arith.constant 0 : i32
        %dma_wait3A_850 = tpu.memref_slice %arg6[%dma_wait3A_839, %dma_wait3A_848, %dma_wait3A_849] : memref<14x64x128xf32, #tpu.memory_space<vmem>> -> memref<1x64x128xf32, #tpu.memory_space<vmem>>
        %dma_wait3A_851 = tpu.memref_squeeze %dma_wait3A_850 : memref<1x64x128xf32, #tpu.memory_space<vmem>> -> memref<64x128xf32, #tpu.memory_space<vmem>>
        tpu.wait_dma2 semaphore(%arg24 : memref<!tpu.dma_semaphore, #tpu.memory_space<semaphore_mem>>) src(%dma_wait3A_851 : memref<64x128xf32, #tpu.memory_space<vmem>>) dst(%dma_wait3A_847 : memref<64x128xf32, #tpu.memory_space<hbm>>)
      } else {
      }
      %add3A_457 = arith.constant 12 : i32
      %add3A_458 = arith.addi %add3A_451, %add3A_457 : i32
      %lt3A_459 = arith.constant 100 : i32
      %lt3A_460 = arith.cmpi slt, %add3A_458, %lt3A_459 : i32
      %convert_element_type3A_461 = arith.extui %lt3A_460 : i1 to i32
      %cond3A_462 = arith.constant 0 : i32
      %cond3A_463 = arith.cmpi ne, %convert_element_type3A_461, %cond3A_462 : i32
      scf.if %cond3A_463 {
        %add3A_835 = arith.constant 12 : i32
        %add3A_836 = arith.addi %add3A_451, %add3A_835 : i32
        %mul3A_837 = arith.constant 64 : i32
        %mul3A_838 = arith.muli %add3A_836, %mul3A_837 : i32
        %dma_start3A_839 = arith.constant 3 : i32
        %dma_start3A_840 = arith.constant 0 : i32
        %dma_start3A_841 = arith.constant 0 : i32
        %dma_start3A_842 = tpu.memref_slice %arg6[%dma_start3A_839, %dma_start3A_840, %dma_start3A_841] : memref<14x64x128xf32, #tpu.memory_space<vmem>> -> memref<1x64x128xf32, #tpu.memory_space<vmem>>
        %dma_start3A_843 = tpu.memref_squeeze %dma_start3A_842 : memref<1x64x128xf32, #tpu.memory_space<vmem>> -> memref<64x128xf32, #tpu.memory_space<vmem>>
        %dma_start3A_844 = tpu.memref_slice %arg5[%mul3A_838] : memref<6400xi32, #tpu.memory_space<vmem>> -> memref<64xi32, #tpu.memory_space<vmem>>
        %dma_start3A_845 = arith.constant 0 : i32
        %dma_start3A_846 = arith.constant 0 : i32
        %dma_start3A_847 = tpu.memref_slice %arg3[%dma_start3A_845, %dma_start3A_846] : memref<100000x128xf32, #tpu.memory_space<hbm>> -> memref<100000x128xf32, #tpu.memory_space<hbm>>
        tpu.enqueue_indirect_dma source(%dma_start3A_847 : memref<100000x128xf32, #tpu.memory_space<hbm>>) target(%dma_start3A_843 : memref<64x128xf32, #tpu.memory_space<vmem>>) offsets(%dma_start3A_844 : memref<64xi32, #tpu.memory_space<vmem>>) semaphore(%arg10 : memref<!tpu.dma_semaphore, #tpu.memory_space<semaphore_mem>>)
      } else {
      }
      %mul3A_464 = arith.constant 64 : i32
      %mul3A_465 = arith.muli %add3A_451, %mul3A_464 : i32
      %dma_wait3A_466 = arith.constant 5 : i32
      %dma_wait3A_467 = arith.constant 0 : i32
      %dma_wait3A_468 = arith.constant 0 : i32
      %dma_wait3A_469 = tpu.memref_slice %arg6[%dma_wait3A_466, %dma_wait3A_467, %dma_wait3A_468] : memref<14x64x128xf32, #tpu.memory_space<vmem>> -> memref<1x64x128xf32, #tpu.memory_space<vmem>>
      %dma_wait3A_470 = tpu.memref_squeeze %dma_wait3A_469 : memref<1x64x128xf32, #tpu.memory_space<vmem>> -> memref<64x128xf32, #tpu.memory_space<vmem>>
      %dma_wait3A_471 = tpu.memref_slice %arg5[%mul3A_465] : memref<6400xi32, #tpu.memory_space<vmem>> -> memref<64xi32, #tpu.memory_space<vmem>>
      %dma_wait3A_472 = arith.constant 0 : i32
      %dma_wait3A_473 = arith.constant 0 : i32
      %dma_wait3A_474 = tpu.memref_slice %arg3[%dma_wait3A_472, %dma_wait3A_473] : memref<100000x128xf32, #tpu.memory_space<hbm>> -> memref<100000x128xf32, #tpu.memory_space<hbm>>
      tpu.wait_indirect_dma semaphore(%arg12 : memref<!tpu.dma_semaphore, #tpu.memory_space<semaphore_mem>>) src(%dma_wait3A_474 : memref<100000x128xf32, #tpu.memory_space<hbm>>) dst(%dma_wait3A_470 : memref<64x128xf32, #tpu.memory_space<vmem>>)
      %mul3A_475 = arith.constant 64 : i32
      %mul3A_476 = arith.muli %add3A_451, %mul3A_475 : i32
      %add3A_477 = arith.addi %mul3A_2, %mul3A_476 : i32
      %dma_start3A_478 = arith.constant 5 : i32
      %dma_start3A_479 = arith.constant 0 : i32
      %dma_start3A_480 = arith.constant 0 : i32
      %dma_start3A_481 = tpu.memref_slice %arg6[%dma_start3A_478, %dma_start3A_479, %dma_start3A_480] : memref<14x64x128xf32, #tpu.memory_space<vmem>> -> memref<1x64x128xf32, #tpu.memory_space<vmem>>
      %dma_start3A_482 = tpu.memref_squeeze %dma_start3A_481 : memref<1x64x128xf32, #tpu.memory_space<vmem>> -> memref<64x128xf32, #tpu.memory_space<vmem>>
      %dma_start3A_483 = arith.constant 0 : i32
      %dma_start3A_484 = tpu.memref_slice %arg4[%add3A_477, %dma_start3A_483] : memref<204800x128xf32, #tpu.memory_space<hbm>> -> memref<64x128xf32, #tpu.memory_space<hbm>>
      %dma_start3A_485 = arith.constant 0 : i32
      %dma_start3A_486 = tpu.memref_slice %arg4[%add3A_477, %dma_start3A_485] : memref<204800x128xf32, #tpu.memory_space<hbm>> -> memref<64x128xf32, #tpu.memory_space<hbm>>
      %dma_start3A_487 = arith.constant 0 : i32
      %dma_start3A_488 = arith.constant 0 : i32
      %dma_start3A_489 = tpu.memref_slice %arg6[%dma_start3A_478, %dma_start3A_487, %dma_start3A_488] : memref<14x64x128xf32, #tpu.memory_space<vmem>> -> memref<1x64x128xf32, #tpu.memory_space<vmem>>
      %dma_start3A_490 = tpu.memref_squeeze %dma_start3A_489 : memref<1x64x128xf32, #tpu.memory_space<vmem>> -> memref<64x128xf32, #tpu.memory_space<vmem>>
      tpu.enqueue_dma source(%dma_start3A_490 : memref<64x128xf32, #tpu.memory_space<vmem>>) target(%dma_start3A_486 : memref<64x128xf32, #tpu.memory_space<hbm>>) target_semaphore(%arg26 : memref<!tpu.dma_semaphore, #tpu.memory_space<semaphore_mem>>)
      %mul3A_491 = arith.constant 14 : i32
      %mul3A_492 = arith.muli %scan3A_236, %mul3A_491 : i32
      %add3A_493 = arith.constant 6 : i32
      %add3A_494 = arith.addi %mul3A_492, %add3A_493 : i32
      %ge3A_495 = arith.constant 2 : i32
      %ge3A_496 = arith.cmpi sge, %add3A_494, %ge3A_495 : i32
      %convert_element_type3A_497 = arith.extui %ge3A_496 : i1 to i32
      %cond3A_498 = arith.constant 0 : i32
      %cond3A_499 = arith.cmpi ne, %convert_element_type3A_497, %cond3A_498 : i32
      scf.if %cond3A_499 {
        %sub3A = arith.constant 2 : i32
        %sub3A_835 = arith.subi %add3A_494, %sub3A : i32
        %mul3A_836 = arith.constant 64 : i32
        %mul3A_837 = arith.muli %sub3A_835, %mul3A_836 : i32
        %add3A_838 = arith.addi %mul3A_2, %mul3A_837 : i32
        %dma_wait3A_839 = arith.constant 4 : i32
        %dma_wait3A_840 = arith.constant 0 : i32
        %dma_wait3A_841 = arith.constant 0 : i32
        %dma_wait3A_842 = tpu.memref_slice %arg6[%dma_wait3A_839, %dma_wait3A_840, %dma_wait3A_841] : memref<14x64x128xf32, #tpu.memory_space<vmem>> -> memref<1x64x128xf32, #tpu.memory_space<vmem>>
        %dma_wait3A_843 = tpu.memref_squeeze %dma_wait3A_842 : memref<1x64x128xf32, #tpu.memory_space<vmem>> -> memref<64x128xf32, #tpu.memory_space<vmem>>
        %dma_wait3A_844 = arith.constant 0 : i32
        %dma_wait3A_845 = tpu.memref_slice %arg4[%add3A_838, %dma_wait3A_844] : memref<204800x128xf32, #tpu.memory_space<hbm>> -> memref<64x128xf32, #tpu.memory_space<hbm>>
        %dma_wait3A_846 = arith.constant 0 : i32
        %dma_wait3A_847 = tpu.memref_slice %arg4[%add3A_838, %dma_wait3A_846] : memref<204800x128xf32, #tpu.memory_space<hbm>> -> memref<64x128xf32, #tpu.memory_space<hbm>>
        %dma_wait3A_848 = arith.constant 0 : i32
        %dma_wait3A_849 = arith.constant 0 : i32
        %dma_wait3A_850 = tpu.memref_slice %arg6[%dma_wait3A_839, %dma_wait3A_848, %dma_wait3A_849] : memref<14x64x128xf32, #tpu.memory_space<vmem>> -> memref<1x64x128xf32, #tpu.memory_space<vmem>>
        %dma_wait3A_851 = tpu.memref_squeeze %dma_wait3A_850 : memref<1x64x128xf32, #tpu.memory_space<vmem>> -> memref<64x128xf32, #tpu.memory_space<vmem>>
        tpu.wait_dma2 semaphore(%arg25 : memref<!tpu.dma_semaphore, #tpu.memory_space<semaphore_mem>>) src(%dma_wait3A_851 : memref<64x128xf32, #tpu.memory_space<vmem>>) dst(%dma_wait3A_847 : memref<64x128xf32, #tpu.memory_space<hbm>>)
      } else {
      }
      %add3A_500 = arith.constant 12 : i32
      %add3A_501 = arith.addi %add3A_494, %add3A_500 : i32
      %lt3A_502 = arith.constant 100 : i32
      %lt3A_503 = arith.cmpi slt, %add3A_501, %lt3A_502 : i32
      %convert_element_type3A_504 = arith.extui %lt3A_503 : i1 to i32
      %cond3A_505 = arith.constant 0 : i32
      %cond3A_506 = arith.cmpi ne, %convert_element_type3A_504, %cond3A_505 : i32
      scf.if %cond3A_506 {
        %add3A_835 = arith.constant 12 : i32
        %add3A_836 = arith.addi %add3A_494, %add3A_835 : i32
        %mul3A_837 = arith.constant 64 : i32
        %mul3A_838 = arith.muli %add3A_836, %mul3A_837 : i32
        %dma_start3A_839 = arith.constant 4 : i32
        %dma_start3A_840 = arith.constant 0 : i32
        %dma_start3A_841 = arith.constant 0 : i32
        %dma_start3A_842 = tpu.memref_slice %arg6[%dma_start3A_839, %dma_start3A_840, %dma_start3A_841] : memref<14x64x128xf32, #tpu.memory_space<vmem>> -> memref<1x64x128xf32, #tpu.memory_space<vmem>>
        %dma_start3A_843 = tpu.memref_squeeze %dma_start3A_842 : memref<1x64x128xf32, #tpu.memory_space<vmem>> -> memref<64x128xf32, #tpu.memory_space<vmem>>
        %dma_start3A_844 = tpu.memref_slice %arg5[%mul3A_838] : memref<6400xi32, #tpu.memory_space<vmem>> -> memref<64xi32, #tpu.memory_space<vmem>>
        %dma_start3A_845 = arith.constant 0 : i32
        %dma_start3A_846 = arith.constant 0 : i32
        %dma_start3A_847 = tpu.memref_slice %arg3[%dma_start3A_845, %dma_start3A_846] : memref<100000x128xf32, #tpu.memory_space<hbm>> -> memref<100000x128xf32, #tpu.memory_space<hbm>>
        tpu.enqueue_indirect_dma source(%dma_start3A_847 : memref<100000x128xf32, #tpu.memory_space<hbm>>) target(%dma_start3A_843 : memref<64x128xf32, #tpu.memory_space<vmem>>) offsets(%dma_start3A_844 : memref<64xi32, #tpu.memory_space<vmem>>) semaphore(%arg11 : memref<!tpu.dma_semaphore, #tpu.memory_space<semaphore_mem>>)
      } else {
      }
      %mul3A_507 = arith.constant 64 : i32
      %mul3A_508 = arith.muli %add3A_494, %mul3A_507 : i32
      %dma_wait3A_509 = arith.constant 6 : i32
      %dma_wait3A_510 = arith.constant 0 : i32
      %dma_wait3A_511 = arith.constant 0 : i32
      %dma_wait3A_512 = tpu.memref_slice %arg6[%dma_wait3A_509, %dma_wait3A_510, %dma_wait3A_511] : memref<14x64x128xf32, #tpu.memory_space<vmem>> -> memref<1x64x128xf32, #tpu.memory_space<vmem>>
      %dma_wait3A_513 = tpu.memref_squeeze %dma_wait3A_512 : memref<1x64x128xf32, #tpu.memory_space<vmem>> -> memref<64x128xf32, #tpu.memory_space<vmem>>
      %dma_wait3A_514 = tpu.memref_slice %arg5[%mul3A_508] : memref<6400xi32, #tpu.memory_space<vmem>> -> memref<64xi32, #tpu.memory_space<vmem>>
      %dma_wait3A_515 = arith.constant 0 : i32
      %dma_wait3A_516 = arith.constant 0 : i32
      %dma_wait3A_517 = tpu.memref_slice %arg3[%dma_wait3A_515, %dma_wait3A_516] : memref<100000x128xf32, #tpu.memory_space<hbm>> -> memref<100000x128xf32, #tpu.memory_space<hbm>>
      tpu.wait_indirect_dma semaphore(%arg13 : memref<!tpu.dma_semaphore, #tpu.memory_space<semaphore_mem>>) src(%dma_wait3A_517 : memref<100000x128xf32, #tpu.memory_space<hbm>>) dst(%dma_wait3A_513 : memref<64x128xf32, #tpu.memory_space<vmem>>)
      %mul3A_518 = arith.constant 64 : i32
      %mul3A_519 = arith.muli %add3A_494, %mul3A_518 : i32
      %add3A_520 = arith.addi %mul3A_2, %mul3A_519 : i32
      %dma_start3A_521 = arith.constant 6 : i32
      %dma_start3A_522 = arith.constant 0 : i32
      %dma_start3A_523 = arith.constant 0 : i32
      %dma_start3A_524 = tpu.memref_slice %arg6[%dma_start3A_521, %dma_start3A_522, %dma_start3A_523] : memref<14x64x128xf32, #tpu.memory_space<vmem>> -> memref<1x64x128xf32, #tpu.memory_space<vmem>>
      %dma_start3A_525 = tpu.memref_squeeze %dma_start3A_524 : memref<1x64x128xf32, #tpu.memory_space<vmem>> -> memref<64x128xf32, #tpu.memory_space<vmem>>
      %dma_start3A_526 = arith.constant 0 : i32
      %dma_start3A_527 = tpu.memref_slice %arg4[%add3A_520, %dma_start3A_526] : memref<204800x128xf32, #tpu.memory_space<hbm>> -> memref<64x128xf32, #tpu.memory_space<hbm>>
      %dma_start3A_528 = arith.constant 0 : i32
      %dma_start3A_529 = tpu.memref_slice %arg4[%add3A_520, %dma_start3A_528] : memref<204800x128xf32, #tpu.memory_space<hbm>> -> memref<64x128xf32, #tpu.memory_space<hbm>>
      %dma_start3A_530 = arith.constant 0 : i32
      %dma_start3A_531 = arith.constant 0 : i32
      %dma_start3A_532 = tpu.memref_slice %arg6[%dma_start3A_521, %dma_start3A_530, %dma_start3A_531] : memref<14x64x128xf32, #tpu.memory_space<vmem>> -> memref<1x64x128xf32, #tpu.memory_space<vmem>>
      %dma_start3A_533 = tpu.memref_squeeze %dma_start3A_532 : memref<1x64x128xf32, #tpu.memory_space<vmem>> -> memref<64x128xf32, #tpu.memory_space<vmem>>
      tpu.enqueue_dma source(%dma_start3A_533 : memref<64x128xf32, #tpu.memory_space<vmem>>) target(%dma_start3A_529 : memref<64x128xf32, #tpu.memory_space<hbm>>) target_semaphore(%arg27 : memref<!tpu.dma_semaphore, #tpu.memory_space<semaphore_mem>>)
      %mul3A_534 = arith.constant 14 : i32
      %mul3A_535 = arith.muli %scan3A_236, %mul3A_534 : i32
      %add3A_536 = arith.constant 7 : i32
      %add3A_537 = arith.addi %mul3A_535, %add3A_536 : i32
      %ge3A_538 = arith.constant 2 : i32
      %ge3A_539 = arith.cmpi sge, %add3A_537, %ge3A_538 : i32
      %convert_element_type3A_540 = arith.extui %ge3A_539 : i1 to i32
      %cond3A_541 = arith.constant 0 : i32
      %cond3A_542 = arith.cmpi ne, %convert_element_type3A_540, %cond3A_541 : i32
      scf.if %cond3A_542 {
        %sub3A = arith.constant 2 : i32
        %sub3A_835 = arith.subi %add3A_537, %sub3A : i32
        %mul3A_836 = arith.constant 64 : i32
        %mul3A_837 = arith.muli %sub3A_835, %mul3A_836 : i32
        %add3A_838 = arith.addi %mul3A_2, %mul3A_837 : i32
        %dma_wait3A_839 = arith.constant 5 : i32
        %dma_wait3A_840 = arith.constant 0 : i32
        %dma_wait3A_841 = arith.constant 0 : i32
        %dma_wait3A_842 = tpu.memref_slice %arg6[%dma_wait3A_839, %dma_wait3A_840, %dma_wait3A_841] : memref<14x64x128xf32, #tpu.memory_space<vmem>> -> memref<1x64x128xf32, #tpu.memory_space<vmem>>
        %dma_wait3A_843 = tpu.memref_squeeze %dma_wait3A_842 : memref<1x64x128xf32, #tpu.memory_space<vmem>> -> memref<64x128xf32, #tpu.memory_space<vmem>>
        %dma_wait3A_844 = arith.constant 0 : i32
        %dma_wait3A_845 = tpu.memref_slice %arg4[%add3A_838, %dma_wait3A_844] : memref<204800x128xf32, #tpu.memory_space<hbm>> -> memref<64x128xf32, #tpu.memory_space<hbm>>
        %dma_wait3A_846 = arith.constant 0 : i32
        %dma_wait3A_847 = tpu.memref_slice %arg4[%add3A_838, %dma_wait3A_846] : memref<204800x128xf32, #tpu.memory_space<hbm>> -> memref<64x128xf32, #tpu.memory_space<hbm>>
        %dma_wait3A_848 = arith.constant 0 : i32
        %dma_wait3A_849 = arith.constant 0 : i32
        %dma_wait3A_850 = tpu.memref_slice %arg6[%dma_wait3A_839, %dma_wait3A_848, %dma_wait3A_849] : memref<14x64x128xf32, #tpu.memory_space<vmem>> -> memref<1x64x128xf32, #tpu.memory_space<vmem>>
        %dma_wait3A_851 = tpu.memref_squeeze %dma_wait3A_850 : memref<1x64x128xf32, #tpu.memory_space<vmem>> -> memref<64x128xf32, #tpu.memory_space<vmem>>
        tpu.wait_dma2 semaphore(%arg26 : memref<!tpu.dma_semaphore, #tpu.memory_space<semaphore_mem>>) src(%dma_wait3A_851 : memref<64x128xf32, #tpu.memory_space<vmem>>) dst(%dma_wait3A_847 : memref<64x128xf32, #tpu.memory_space<hbm>>)
      } else {
      }
      %add3A_543 = arith.constant 12 : i32
      %add3A_544 = arith.addi %add3A_537, %add3A_543 : i32
      %lt3A_545 = arith.constant 100 : i32
      %lt3A_546 = arith.cmpi slt, %add3A_544, %lt3A_545 : i32
      %convert_element_type3A_547 = arith.extui %lt3A_546 : i1 to i32
      %cond3A_548 = arith.constant 0 : i32
      %cond3A_549 = arith.cmpi ne, %convert_element_type3A_547, %cond3A_548 : i32
      scf.if %cond3A_549 {
        %add3A_835 = arith.constant 12 : i32
        %add3A_836 = arith.addi %add3A_537, %add3A_835 : i32
        %mul3A_837 = arith.constant 64 : i32
        %mul3A_838 = arith.muli %add3A_836, %mul3A_837 : i32
        %dma_start3A_839 = arith.constant 5 : i32
        %dma_start3A_840 = arith.constant 0 : i32
        %dma_start3A_841 = arith.constant 0 : i32
        %dma_start3A_842 = tpu.memref_slice %arg6[%dma_start3A_839, %dma_start3A_840, %dma_start3A_841] : memref<14x64x128xf32, #tpu.memory_space<vmem>> -> memref<1x64x128xf32, #tpu.memory_space<vmem>>
        %dma_start3A_843 = tpu.memref_squeeze %dma_start3A_842 : memref<1x64x128xf32, #tpu.memory_space<vmem>> -> memref<64x128xf32, #tpu.memory_space<vmem>>
        %dma_start3A_844 = tpu.memref_slice %arg5[%mul3A_838] : memref<6400xi32, #tpu.memory_space<vmem>> -> memref<64xi32, #tpu.memory_space<vmem>>
        %dma_start3A_845 = arith.constant 0 : i32
        %dma_start3A_846 = arith.constant 0 : i32
        %dma_start3A_847 = tpu.memref_slice %arg3[%dma_start3A_845, %dma_start3A_846] : memref<100000x128xf32, #tpu.memory_space<hbm>> -> memref<100000x128xf32, #tpu.memory_space<hbm>>
        tpu.enqueue_indirect_dma source(%dma_start3A_847 : memref<100000x128xf32, #tpu.memory_space<hbm>>) target(%dma_start3A_843 : memref<64x128xf32, #tpu.memory_space<vmem>>) offsets(%dma_start3A_844 : memref<64xi32, #tpu.memory_space<vmem>>) semaphore(%arg12 : memref<!tpu.dma_semaphore, #tpu.memory_space<semaphore_mem>>)
      } else {
      }
      %mul3A_550 = arith.constant 64 : i32
      %mul3A_551 = arith.muli %add3A_537, %mul3A_550 : i32
      %dma_wait3A_552 = arith.constant 7 : i32
      %dma_wait3A_553 = arith.constant 0 : i32
      %dma_wait3A_554 = arith.constant 0 : i32
      %dma_wait3A_555 = tpu.memref_slice %arg6[%dma_wait3A_552, %dma_wait3A_553, %dma_wait3A_554] : memref<14x64x128xf32, #tpu.memory_space<vmem>> -> memref<1x64x128xf32, #tpu.memory_space<vmem>>
      %dma_wait3A_556 = tpu.memref_squeeze %dma_wait3A_555 : memref<1x64x128xf32, #tpu.memory_space<vmem>> -> memref<64x128xf32, #tpu.memory_space<vmem>>
      %dma_wait3A_557 = tpu.memref_slice %arg5[%mul3A_551] : memref<6400xi32, #tpu.memory_space<vmem>> -> memref<64xi32, #tpu.memory_space<vmem>>
      %dma_wait3A_558 = arith.constant 0 : i32
      %dma_wait3A_559 = arith.constant 0 : i32
      %dma_wait3A_560 = tpu.memref_slice %arg3[%dma_wait3A_558, %dma_wait3A_559] : memref<100000x128xf32, #tpu.memory_space<hbm>> -> memref<100000x128xf32, #tpu.memory_space<hbm>>
      tpu.wait_indirect_dma semaphore(%arg14 : memref<!tpu.dma_semaphore, #tpu.memory_space<semaphore_mem>>) src(%dma_wait3A_560 : memref<100000x128xf32, #tpu.memory_space<hbm>>) dst(%dma_wait3A_556 : memref<64x128xf32, #tpu.memory_space<vmem>>)
      %mul3A_561 = arith.constant 64 : i32
      %mul3A_562 = arith.muli %add3A_537, %mul3A_561 : i32
      %add3A_563 = arith.addi %mul3A_2, %mul3A_562 : i32
      %dma_start3A_564 = arith.constant 7 : i32
      %dma_start3A_565 = arith.constant 0 : i32
      %dma_start3A_566 = arith.constant 0 : i32
      %dma_start3A_567 = tpu.memref_slice %arg6[%dma_start3A_564, %dma_start3A_565, %dma_start3A_566] : memref<14x64x128xf32, #tpu.memory_space<vmem>> -> memref<1x64x128xf32, #tpu.memory_space<vmem>>
      %dma_start3A_568 = tpu.memref_squeeze %dma_start3A_567 : memref<1x64x128xf32, #tpu.memory_space<vmem>> -> memref<64x128xf32, #tpu.memory_space<vmem>>
      %dma_start3A_569 = arith.constant 0 : i32
      %dma_start3A_570 = tpu.memref_slice %arg4[%add3A_563, %dma_start3A_569] : memref<204800x128xf32, #tpu.memory_space<hbm>> -> memref<64x128xf32, #tpu.memory_space<hbm>>
      %dma_start3A_571 = arith.constant 0 : i32
      %dma_start3A_572 = tpu.memref_slice %arg4[%add3A_563, %dma_start3A_571] : memref<204800x128xf32, #tpu.memory_space<hbm>> -> memref<64x128xf32, #tpu.memory_space<hbm>>
      %dma_start3A_573 = arith.constant 0 : i32
      %dma_start3A_574 = arith.constant 0 : i32
      %dma_start3A_575 = tpu.memref_slice %arg6[%dma_start3A_564, %dma_start3A_573, %dma_start3A_574] : memref<14x64x128xf32, #tpu.memory_space<vmem>> -> memref<1x64x128xf32, #tpu.memory_space<vmem>>
      %dma_start3A_576 = tpu.memref_squeeze %dma_start3A_575 : memref<1x64x128xf32, #tpu.memory_space<vmem>> -> memref<64x128xf32, #tpu.memory_space<vmem>>
      tpu.enqueue_dma source(%dma_start3A_576 : memref<64x128xf32, #tpu.memory_space<vmem>>) target(%dma_start3A_572 : memref<64x128xf32, #tpu.memory_space<hbm>>) target_semaphore(%arg28 : memref<!tpu.dma_semaphore, #tpu.memory_space<semaphore_mem>>)
      %mul3A_577 = arith.constant 14 : i32
      %mul3A_578 = arith.muli %scan3A_236, %mul3A_577 : i32
      %add3A_579 = arith.constant 8 : i32
      %add3A_580 = arith.addi %mul3A_578, %add3A_579 : i32
      %ge3A_581 = arith.constant 2 : i32
      %ge3A_582 = arith.cmpi sge, %add3A_580, %ge3A_581 : i32
      %convert_element_type3A_583 = arith.extui %ge3A_582 : i1 to i32
      %cond3A_584 = arith.constant 0 : i32
      %cond3A_585 = arith.cmpi ne, %convert_element_type3A_583, %cond3A_584 : i32
      scf.if %cond3A_585 {
        %sub3A = arith.constant 2 : i32
        %sub3A_835 = arith.subi %add3A_580, %sub3A : i32
        %mul3A_836 = arith.constant 64 : i32
        %mul3A_837 = arith.muli %sub3A_835, %mul3A_836 : i32
        %add3A_838 = arith.addi %mul3A_2, %mul3A_837 : i32
        %dma_wait3A_839 = arith.constant 6 : i32
        %dma_wait3A_840 = arith.constant 0 : i32
        %dma_wait3A_841 = arith.constant 0 : i32
        %dma_wait3A_842 = tpu.memref_slice %arg6[%dma_wait3A_839, %dma_wait3A_840, %dma_wait3A_841] : memref<14x64x128xf32, #tpu.memory_space<vmem>> -> memref<1x64x128xf32, #tpu.memory_space<vmem>>
        %dma_wait3A_843 = tpu.memref_squeeze %dma_wait3A_842 : memref<1x64x128xf32, #tpu.memory_space<vmem>> -> memref<64x128xf32, #tpu.memory_space<vmem>>
        %dma_wait3A_844 = arith.constant 0 : i32
        %dma_wait3A_845 = tpu.memref_slice %arg4[%add3A_838, %dma_wait3A_844] : memref<204800x128xf32, #tpu.memory_space<hbm>> -> memref<64x128xf32, #tpu.memory_space<hbm>>
        %dma_wait3A_846 = arith.constant 0 : i32
        %dma_wait3A_847 = tpu.memref_slice %arg4[%add3A_838, %dma_wait3A_846] : memref<204800x128xf32, #tpu.memory_space<hbm>> -> memref<64x128xf32, #tpu.memory_space<hbm>>
        %dma_wait3A_848 = arith.constant 0 : i32
        %dma_wait3A_849 = arith.constant 0 : i32
        %dma_wait3A_850 = tpu.memref_slice %arg6[%dma_wait3A_839, %dma_wait3A_848, %dma_wait3A_849] : memref<14x64x128xf32, #tpu.memory_space<vmem>> -> memref<1x64x128xf32, #tpu.memory_space<vmem>>
        %dma_wait3A_851 = tpu.memref_squeeze %dma_wait3A_850 : memref<1x64x128xf32, #tpu.memory_space<vmem>> -> memref<64x128xf32, #tpu.memory_space<vmem>>
        tpu.wait_dma2 semaphore(%arg27 : memref<!tpu.dma_semaphore, #tpu.memory_space<semaphore_mem>>) src(%dma_wait3A_851 : memref<64x128xf32, #tpu.memory_space<vmem>>) dst(%dma_wait3A_847 : memref<64x128xf32, #tpu.memory_space<hbm>>)
      } else {
      }
      %add3A_586 = arith.constant 12 : i32
      %add3A_587 = arith.addi %add3A_580, %add3A_586 : i32
      %lt3A_588 = arith.constant 100 : i32
      %lt3A_589 = arith.cmpi slt, %add3A_587, %lt3A_588 : i32
      %convert_element_type3A_590 = arith.extui %lt3A_589 : i1 to i32
      %cond3A_591 = arith.constant 0 : i32
      %cond3A_592 = arith.cmpi ne, %convert_element_type3A_590, %cond3A_591 : i32
      scf.if %cond3A_592 {
        %add3A_835 = arith.constant 12 : i32
        %add3A_836 = arith.addi %add3A_580, %add3A_835 : i32
        %mul3A_837 = arith.constant 64 : i32
        %mul3A_838 = arith.muli %add3A_836, %mul3A_837 : i32
        %dma_start3A_839 = arith.constant 6 : i32
        %dma_start3A_840 = arith.constant 0 : i32
        %dma_start3A_841 = arith.constant 0 : i32
        %dma_start3A_842 = tpu.memref_slice %arg6[%dma_start3A_839, %dma_start3A_840, %dma_start3A_841] : memref<14x64x128xf32, #tpu.memory_space<vmem>> -> memref<1x64x128xf32, #tpu.memory_space<vmem>>
        %dma_start3A_843 = tpu.memref_squeeze %dma_start3A_842 : memref<1x64x128xf32, #tpu.memory_space<vmem>> -> memref<64x128xf32, #tpu.memory_space<vmem>>
        %dma_start3A_844 = tpu.memref_slice %arg5[%mul3A_838] : memref<6400xi32, #tpu.memory_space<vmem>> -> memref<64xi32, #tpu.memory_space<vmem>>
        %dma_start3A_845 = arith.constant 0 : i32
        %dma_start3A_846 = arith.constant 0 : i32
        %dma_start3A_847 = tpu.memref_slice %arg3[%dma_start3A_845, %dma_start3A_846] : memref<100000x128xf32, #tpu.memory_space<hbm>> -> memref<100000x128xf32, #tpu.memory_space<hbm>>
        tpu.enqueue_indirect_dma source(%dma_start3A_847 : memref<100000x128xf32, #tpu.memory_space<hbm>>) target(%dma_start3A_843 : memref<64x128xf32, #tpu.memory_space<vmem>>) offsets(%dma_start3A_844 : memref<64xi32, #tpu.memory_space<vmem>>) semaphore(%arg13 : memref<!tpu.dma_semaphore, #tpu.memory_space<semaphore_mem>>)
      } else {
      }
      %mul3A_593 = arith.constant 64 : i32
      %mul3A_594 = arith.muli %add3A_580, %mul3A_593 : i32
      %dma_wait3A_595 = arith.constant 8 : i32
      %dma_wait3A_596 = arith.constant 0 : i32
      %dma_wait3A_597 = arith.constant 0 : i32
      %dma_wait3A_598 = tpu.memref_slice %arg6[%dma_wait3A_595, %dma_wait3A_596, %dma_wait3A_597] : memref<14x64x128xf32, #tpu.memory_space<vmem>> -> memref<1x64x128xf32, #tpu.memory_space<vmem>>
      %dma_wait3A_599 = tpu.memref_squeeze %dma_wait3A_598 : memref<1x64x128xf32, #tpu.memory_space<vmem>> -> memref<64x128xf32, #tpu.memory_space<vmem>>
      %dma_wait3A_600 = tpu.memref_slice %arg5[%mul3A_594] : memref<6400xi32, #tpu.memory_space<vmem>> -> memref<64xi32, #tpu.memory_space<vmem>>
      %dma_wait3A_601 = arith.constant 0 : i32
      %dma_wait3A_602 = arith.constant 0 : i32
      %dma_wait3A_603 = tpu.memref_slice %arg3[%dma_wait3A_601, %dma_wait3A_602] : memref<100000x128xf32, #tpu.memory_space<hbm>> -> memref<100000x128xf32, #tpu.memory_space<hbm>>
      tpu.wait_indirect_dma semaphore(%arg15 : memref<!tpu.dma_semaphore, #tpu.memory_space<semaphore_mem>>) src(%dma_wait3A_603 : memref<100000x128xf32, #tpu.memory_space<hbm>>) dst(%dma_wait3A_599 : memref<64x128xf32, #tpu.memory_space<vmem>>)
      %mul3A_604 = arith.constant 64 : i32
      %mul3A_605 = arith.muli %add3A_580, %mul3A_604 : i32
      %add3A_606 = arith.addi %mul3A_2, %mul3A_605 : i32
      %dma_start3A_607 = arith.constant 8 : i32
      %dma_start3A_608 = arith.constant 0 : i32
      %dma_start3A_609 = arith.constant 0 : i32
      %dma_start3A_610 = tpu.memref_slice %arg6[%dma_start3A_607, %dma_start3A_608, %dma_start3A_609] : memref<14x64x128xf32, #tpu.memory_space<vmem>> -> memref<1x64x128xf32, #tpu.memory_space<vmem>>
      %dma_start3A_611 = tpu.memref_squeeze %dma_start3A_610 : memref<1x64x128xf32, #tpu.memory_space<vmem>> -> memref<64x128xf32, #tpu.memory_space<vmem>>
      %dma_start3A_612 = arith.constant 0 : i32
      %dma_start3A_613 = tpu.memref_slice %arg4[%add3A_606, %dma_start3A_612] : memref<204800x128xf32, #tpu.memory_space<hbm>> -> memref<64x128xf32, #tpu.memory_space<hbm>>
      %dma_start3A_614 = arith.constant 0 : i32
      %dma_start3A_615 = tpu.memref_slice %arg4[%add3A_606, %dma_start3A_614] : memref<204800x128xf32, #tpu.memory_space<hbm>> -> memref<64x128xf32, #tpu.memory_space<hbm>>
      %dma_start3A_616 = arith.constant 0 : i32
      %dma_start3A_617 = arith.constant 0 : i32
      %dma_start3A_618 = tpu.memref_slice %arg6[%dma_start3A_607, %dma_start3A_616, %dma_start3A_617] : memref<14x64x128xf32, #tpu.memory_space<vmem>> -> memref<1x64x128xf32, #tpu.memory_space<vmem>>
      %dma_start3A_619 = tpu.memref_squeeze %dma_start3A_618 : memref<1x64x128xf32, #tpu.memory_space<vmem>> -> memref<64x128xf32, #tpu.memory_space<vmem>>
      tpu.enqueue_dma source(%dma_start3A_619 : memref<64x128xf32, #tpu.memory_space<vmem>>) target(%dma_start3A_615 : memref<64x128xf32, #tpu.memory_space<hbm>>) target_semaphore(%arg29 : memref<!tpu.dma_semaphore, #tpu.memory_space<semaphore_mem>>)
      %mul3A_620 = arith.constant 14 : i32
      %mul3A_621 = arith.muli %scan3A_236, %mul3A_620 : i32
      %add3A_622 = arith.constant 9 : i32
      %add3A_623 = arith.addi %mul3A_621, %add3A_622 : i32
      %ge3A_624 = arith.constant 2 : i32
      %ge3A_625 = arith.cmpi sge, %add3A_623, %ge3A_624 : i32
      %convert_element_type3A_626 = arith.extui %ge3A_625 : i1 to i32
      %cond3A_627 = arith.constant 0 : i32
      %cond3A_628 = arith.cmpi ne, %convert_element_type3A_626, %cond3A_627 : i32
      scf.if %cond3A_628 {
        %sub3A = arith.constant 2 : i32
        %sub3A_835 = arith.subi %add3A_623, %sub3A : i32
        %mul3A_836 = arith.constant 64 : i32
        %mul3A_837 = arith.muli %sub3A_835, %mul3A_836 : i32
        %add3A_838 = arith.addi %mul3A_2, %mul3A_837 : i32
        %dma_wait3A_839 = arith.constant 7 : i32
        %dma_wait3A_840 = arith.constant 0 : i32
        %dma_wait3A_841 = arith.constant 0 : i32
        %dma_wait3A_842 = tpu.memref_slice %arg6[%dma_wait3A_839, %dma_wait3A_840, %dma_wait3A_841] : memref<14x64x128xf32, #tpu.memory_space<vmem>> -> memref<1x64x128xf32, #tpu.memory_space<vmem>>
        %dma_wait3A_843 = tpu.memref_squeeze %dma_wait3A_842 : memref<1x64x128xf32, #tpu.memory_space<vmem>> -> memref<64x128xf32, #tpu.memory_space<vmem>>
        %dma_wait3A_844 = arith.constant 0 : i32
        %dma_wait3A_845 = tpu.memref_slice %arg4[%add3A_838, %dma_wait3A_844] : memref<204800x128xf32, #tpu.memory_space<hbm>> -> memref<64x128xf32, #tpu.memory_space<hbm>>
        %dma_wait3A_846 = arith.constant 0 : i32
        %dma_wait3A_847 = tpu.memref_slice %arg4[%add3A_838, %dma_wait3A_846] : memref<204800x128xf32, #tpu.memory_space<hbm>> -> memref<64x128xf32, #tpu.memory_space<hbm>>
        %dma_wait3A_848 = arith.constant 0 : i32
        %dma_wait3A_849 = arith.constant 0 : i32
        %dma_wait3A_850 = tpu.memref_slice %arg6[%dma_wait3A_839, %dma_wait3A_848, %dma_wait3A_849] : memref<14x64x128xf32, #tpu.memory_space<vmem>> -> memref<1x64x128xf32, #tpu.memory_space<vmem>>
        %dma_wait3A_851 = tpu.memref_squeeze %dma_wait3A_850 : memref<1x64x128xf32, #tpu.memory_space<vmem>> -> memref<64x128xf32, #tpu.memory_space<vmem>>
        tpu.wait_dma2 semaphore(%arg28 : memref<!tpu.dma_semaphore, #tpu.memory_space<semaphore_mem>>) src(%dma_wait3A_851 : memref<64x128xf32, #tpu.memory_space<vmem>>) dst(%dma_wait3A_847 : memref<64x128xf32, #tpu.memory_space<hbm>>)
      } else {
      }
      %add3A_629 = arith.constant 12 : i32
      %add3A_630 = arith.addi %add3A_623, %add3A_629 : i32
      %lt3A_631 = arith.constant 100 : i32
      %lt3A_632 = arith.cmpi slt, %add3A_630, %lt3A_631 : i32
      %convert_element_type3A_633 = arith.extui %lt3A_632 : i1 to i32
      %cond3A_634 = arith.constant 0 : i32
      %cond3A_635 = arith.cmpi ne, %convert_element_type3A_633, %cond3A_634 : i32
      scf.if %cond3A_635 {
        %add3A_835 = arith.constant 12 : i32
        %add3A_836 = arith.addi %add3A_623, %add3A_835 : i32
        %mul3A_837 = arith.constant 64 : i32
        %mul3A_838 = arith.muli %add3A_836, %mul3A_837 : i32
        %dma_start3A_839 = arith.constant 7 : i32
        %dma_start3A_840 = arith.constant 0 : i32
        %dma_start3A_841 = arith.constant 0 : i32
        %dma_start3A_842 = tpu.memref_slice %arg6[%dma_start3A_839, %dma_start3A_840, %dma_start3A_841] : memref<14x64x128xf32, #tpu.memory_space<vmem>> -> memref<1x64x128xf32, #tpu.memory_space<vmem>>
        %dma_start3A_843 = tpu.memref_squeeze %dma_start3A_842 : memref<1x64x128xf32, #tpu.memory_space<vmem>> -> memref<64x128xf32, #tpu.memory_space<vmem>>
        %dma_start3A_844 = tpu.memref_slice %arg5[%mul3A_838] : memref<6400xi32, #tpu.memory_space<vmem>> -> memref<64xi32, #tpu.memory_space<vmem>>
        %dma_start3A_845 = arith.constant 0 : i32
        %dma_start3A_846 = arith.constant 0 : i32
        %dma_start3A_847 = tpu.memref_slice %arg3[%dma_start3A_845, %dma_start3A_846] : memref<100000x128xf32, #tpu.memory_space<hbm>> -> memref<100000x128xf32, #tpu.memory_space<hbm>>
        tpu.enqueue_indirect_dma source(%dma_start3A_847 : memref<100000x128xf32, #tpu.memory_space<hbm>>) target(%dma_start3A_843 : memref<64x128xf32, #tpu.memory_space<vmem>>) offsets(%dma_start3A_844 : memref<64xi32, #tpu.memory_space<vmem>>) semaphore(%arg14 : memref<!tpu.dma_semaphore, #tpu.memory_space<semaphore_mem>>)
      } else {
      }
      %mul3A_636 = arith.constant 64 : i32
      %mul3A_637 = arith.muli %add3A_623, %mul3A_636 : i32
      %dma_wait3A_638 = arith.constant 9 : i32
      %dma_wait3A_639 = arith.constant 0 : i32
      %dma_wait3A_640 = arith.constant 0 : i32
      %dma_wait3A_641 = tpu.memref_slice %arg6[%dma_wait3A_638, %dma_wait3A_639, %dma_wait3A_640] : memref<14x64x128xf32, #tpu.memory_space<vmem>> -> memref<1x64x128xf32, #tpu.memory_space<vmem>>
      %dma_wait3A_642 = tpu.memref_squeeze %dma_wait3A_641 : memref<1x64x128xf32, #tpu.memory_space<vmem>> -> memref<64x128xf32, #tpu.memory_space<vmem>>
      %dma_wait3A_643 = tpu.memref_slice %arg5[%mul3A_637] : memref<6400xi32, #tpu.memory_space<vmem>> -> memref<64xi32, #tpu.memory_space<vmem>>
      %dma_wait3A_644 = arith.constant 0 : i32
      %dma_wait3A_645 = arith.constant 0 : i32
      %dma_wait3A_646 = tpu.memref_slice %arg3[%dma_wait3A_644, %dma_wait3A_645] : memref<100000x128xf32, #tpu.memory_space<hbm>> -> memref<100000x128xf32, #tpu.memory_space<hbm>>
      tpu.wait_indirect_dma semaphore(%arg16 : memref<!tpu.dma_semaphore, #tpu.memory_space<semaphore_mem>>) src(%dma_wait3A_646 : memref<100000x128xf32, #tpu.memory_space<hbm>>) dst(%dma_wait3A_642 : memref<64x128xf32, #tpu.memory_space<vmem>>)
      %mul3A_647 = arith.constant 64 : i32
      %mul3A_648 = arith.muli %add3A_623, %mul3A_647 : i32
      %add3A_649 = arith.addi %mul3A_2, %mul3A_648 : i32
      %dma_start3A_650 = arith.constant 9 : i32
      %dma_start3A_651 = arith.constant 0 : i32
      %dma_start3A_652 = arith.constant 0 : i32
      %dma_start3A_653 = tpu.memref_slice %arg6[%dma_start3A_650, %dma_start3A_651, %dma_start3A_652] : memref<14x64x128xf32, #tpu.memory_space<vmem>> -> memref<1x64x128xf32, #tpu.memory_space<vmem>>
      %dma_start3A_654 = tpu.memref_squeeze %dma_start3A_653 : memref<1x64x128xf32, #tpu.memory_space<vmem>> -> memref<64x128xf32, #tpu.memory_space<vmem>>
      %dma_start3A_655 = arith.constant 0 : i32
      %dma_start3A_656 = tpu.memref_slice %arg4[%add3A_649, %dma_start3A_655] : memref<204800x128xf32, #tpu.memory_space<hbm>> -> memref<64x128xf32, #tpu.memory_space<hbm>>
      %dma_start3A_657 = arith.constant 0 : i32
      %dma_start3A_658 = tpu.memref_slice %arg4[%add3A_649, %dma_start3A_657] : memref<204800x128xf32, #tpu.memory_space<hbm>> -> memref<64x128xf32, #tpu.memory_space<hbm>>
      %dma_start3A_659 = arith.constant 0 : i32
      %dma_start3A_660 = arith.constant 0 : i32
      %dma_start3A_661 = tpu.memref_slice %arg6[%dma_start3A_650, %dma_start3A_659, %dma_start3A_660] : memref<14x64x128xf32, #tpu.memory_space<vmem>> -> memref<1x64x128xf32, #tpu.memory_space<vmem>>
      %dma_start3A_662 = tpu.memref_squeeze %dma_start3A_661 : memref<1x64x128xf32, #tpu.memory_space<vmem>> -> memref<64x128xf32, #tpu.memory_space<vmem>>
      tpu.enqueue_dma source(%dma_start3A_662 : memref<64x128xf32, #tpu.memory_space<vmem>>) target(%dma_start3A_658 : memref<64x128xf32, #tpu.memory_space<hbm>>) target_semaphore(%arg30 : memref<!tpu.dma_semaphore, #tpu.memory_space<semaphore_mem>>)
      %mul3A_663 = arith.constant 14 : i32
      %mul3A_664 = arith.muli %scan3A_236, %mul3A_663 : i32
      %add3A_665 = arith.constant 10 : i32
      %add3A_666 = arith.addi %mul3A_664, %add3A_665 : i32
      %ge3A_667 = arith.constant 2 : i32
      %ge3A_668 = arith.cmpi sge, %add3A_666, %ge3A_667 : i32
      %convert_element_type3A_669 = arith.extui %ge3A_668 : i1 to i32
      %cond3A_670 = arith.constant 0 : i32
      %cond3A_671 = arith.cmpi ne, %convert_element_type3A_669, %cond3A_670 : i32
      scf.if %cond3A_671 {
        %sub3A = arith.constant 2 : i32
        %sub3A_835 = arith.subi %add3A_666, %sub3A : i32
        %mul3A_836 = arith.constant 64 : i32
        %mul3A_837 = arith.muli %sub3A_835, %mul3A_836 : i32
        %add3A_838 = arith.addi %mul3A_2, %mul3A_837 : i32
        %dma_wait3A_839 = arith.constant 8 : i32
        %dma_wait3A_840 = arith.constant 0 : i32
        %dma_wait3A_841 = arith.constant 0 : i32
        %dma_wait3A_842 = tpu.memref_slice %arg6[%dma_wait3A_839, %dma_wait3A_840, %dma_wait3A_841] : memref<14x64x128xf32, #tpu.memory_space<vmem>> -> memref<1x64x128xf32, #tpu.memory_space<vmem>>
        %dma_wait3A_843 = tpu.memref_squeeze %dma_wait3A_842 : memref<1x64x128xf32, #tpu.memory_space<vmem>> -> memref<64x128xf32, #tpu.memory_space<vmem>>
        %dma_wait3A_844 = arith.constant 0 : i32
        %dma_wait3A_845 = tpu.memref_slice %arg4[%add3A_838, %dma_wait3A_844] : memref<204800x128xf32, #tpu.memory_space<hbm>> -> memref<64x128xf32, #tpu.memory_space<hbm>>
        %dma_wait3A_846 = arith.constant 0 : i32
        %dma_wait3A_847 = tpu.memref_slice %arg4[%add3A_838, %dma_wait3A_846] : memref<204800x128xf32, #tpu.memory_space<hbm>> -> memref<64x128xf32, #tpu.memory_space<hbm>>
        %dma_wait3A_848 = arith.constant 0 : i32
        %dma_wait3A_849 = arith.constant 0 : i32
        %dma_wait3A_850 = tpu.memref_slice %arg6[%dma_wait3A_839, %dma_wait3A_848, %dma_wait3A_849] : memref<14x64x128xf32, #tpu.memory_space<vmem>> -> memref<1x64x128xf32, #tpu.memory_space<vmem>>
        %dma_wait3A_851 = tpu.memref_squeeze %dma_wait3A_850 : memref<1x64x128xf32, #tpu.memory_space<vmem>> -> memref<64x128xf32, #tpu.memory_space<vmem>>
        tpu.wait_dma2 semaphore(%arg29 : memref<!tpu.dma_semaphore, #tpu.memory_space<semaphore_mem>>) src(%dma_wait3A_851 : memref<64x128xf32, #tpu.memory_space<vmem>>) dst(%dma_wait3A_847 : memref<64x128xf32, #tpu.memory_space<hbm>>)
      } else {
      }
      %add3A_672 = arith.constant 12 : i32
      %add3A_673 = arith.addi %add3A_666, %add3A_672 : i32
      %lt3A_674 = arith.constant 100 : i32
      %lt3A_675 = arith.cmpi slt, %add3A_673, %lt3A_674 : i32
      %convert_element_type3A_676 = arith.extui %lt3A_675 : i1 to i32
      %cond3A_677 = arith.constant 0 : i32
      %cond3A_678 = arith.cmpi ne, %convert_element_type3A_676, %cond3A_677 : i32
      scf.if %cond3A_678 {
        %add3A_835 = arith.constant 12 : i32
        %add3A_836 = arith.addi %add3A_666, %add3A_835 : i32
        %mul3A_837 = arith.constant 64 : i32
        %mul3A_838 = arith.muli %add3A_836, %mul3A_837 : i32
        %dma_start3A_839 = arith.constant 8 : i32
        %dma_start3A_840 = arith.constant 0 : i32
        %dma_start3A_841 = arith.constant 0 : i32
        %dma_start3A_842 = tpu.memref_slice %arg6[%dma_start3A_839, %dma_start3A_840, %dma_start3A_841] : memref<14x64x128xf32, #tpu.memory_space<vmem>> -> memref<1x64x128xf32, #tpu.memory_space<vmem>>
        %dma_start3A_843 = tpu.memref_squeeze %dma_start3A_842 : memref<1x64x128xf32, #tpu.memory_space<vmem>> -> memref<64x128xf32, #tpu.memory_space<vmem>>
        %dma_start3A_844 = tpu.memref_slice %arg5[%mul3A_838] : memref<6400xi32, #tpu.memory_space<vmem>> -> memref<64xi32, #tpu.memory_space<vmem>>
        %dma_start3A_845 = arith.constant 0 : i32
        %dma_start3A_846 = arith.constant 0 : i32
        %dma_start3A_847 = tpu.memref_slice %arg3[%dma_start3A_845, %dma_start3A_846] : memref<100000x128xf32, #tpu.memory_space<hbm>> -> memref<100000x128xf32, #tpu.memory_space<hbm>>
        tpu.enqueue_indirect_dma source(%dma_start3A_847 : memref<100000x128xf32, #tpu.memory_space<hbm>>) target(%dma_start3A_843 : memref<64x128xf32, #tpu.memory_space<vmem>>) offsets(%dma_start3A_844 : memref<64xi32, #tpu.memory_space<vmem>>) semaphore(%arg15 : memref<!tpu.dma_semaphore, #tpu.memory_space<semaphore_mem>>)
      } else {
      }
      %mul3A_679 = arith.constant 64 : i32
      %mul3A_680 = arith.muli %add3A_666, %mul3A_679 : i32
      %dma_wait3A_681 = arith.constant 10 : i32
      %dma_wait3A_682 = arith.constant 0 : i32
      %dma_wait3A_683 = arith.constant 0 : i32
      %dma_wait3A_684 = tpu.memref_slice %arg6[%dma_wait3A_681, %dma_wait3A_682, %dma_wait3A_683] : memref<14x64x128xf32, #tpu.memory_space<vmem>> -> memref<1x64x128xf32, #tpu.memory_space<vmem>>
      %dma_wait3A_685 = tpu.memref_squeeze %dma_wait3A_684 : memref<1x64x128xf32, #tpu.memory_space<vmem>> -> memref<64x128xf32, #tpu.memory_space<vmem>>
      %dma_wait3A_686 = tpu.memref_slice %arg5[%mul3A_680] : memref<6400xi32, #tpu.memory_space<vmem>> -> memref<64xi32, #tpu.memory_space<vmem>>
      %dma_wait3A_687 = arith.constant 0 : i32
      %dma_wait3A_688 = arith.constant 0 : i32
      %dma_wait3A_689 = tpu.memref_slice %arg3[%dma_wait3A_687, %dma_wait3A_688] : memref<100000x128xf32, #tpu.memory_space<hbm>> -> memref<100000x128xf32, #tpu.memory_space<hbm>>
      tpu.wait_indirect_dma semaphore(%arg17 : memref<!tpu.dma_semaphore, #tpu.memory_space<semaphore_mem>>) src(%dma_wait3A_689 : memref<100000x128xf32, #tpu.memory_space<hbm>>) dst(%dma_wait3A_685 : memref<64x128xf32, #tpu.memory_space<vmem>>)
      %mul3A_690 = arith.constant 64 : i32
      %mul3A_691 = arith.muli %add3A_666, %mul3A_690 : i32
      %add3A_692 = arith.addi %mul3A_2, %mul3A_691 : i32
      %dma_start3A_693 = arith.constant 10 : i32
      %dma_start3A_694 = arith.constant 0 : i32
      %dma_start3A_695 = arith.constant 0 : i32
      %dma_start3A_696 = tpu.memref_slice %arg6[%dma_start3A_693, %dma_start3A_694, %dma_start3A_695] : memref<14x64x128xf32, #tpu.memory_space<vmem>> -> memref<1x64x128xf32, #tpu.memory_space<vmem>>
      %dma_start3A_697 = tpu.memref_squeeze %dma_start3A_696 : memref<1x64x128xf32, #tpu.memory_space<vmem>> -> memref<64x128xf32, #tpu.memory_space<vmem>>
      %dma_start3A_698 = arith.constant 0 : i32
      %dma_start3A_699 = tpu.memref_slice %arg4[%add3A_692, %dma_start3A_698] : memref<204800x128xf32, #tpu.memory_space<hbm>> -> memref<64x128xf32, #tpu.memory_space<hbm>>
      %dma_start3A_700 = arith.constant 0 : i32
      %dma_start3A_701 = tpu.memref_slice %arg4[%add3A_692, %dma_start3A_700] : memref<204800x128xf32, #tpu.memory_space<hbm>> -> memref<64x128xf32, #tpu.memory_space<hbm>>
      %dma_start3A_702 = arith.constant 0 : i32
      %dma_start3A_703 = arith.constant 0 : i32
      %dma_start3A_704 = tpu.memref_slice %arg6[%dma_start3A_693, %dma_start3A_702, %dma_start3A_703] : memref<14x64x128xf32, #tpu.memory_space<vmem>> -> memref<1x64x128xf32, #tpu.memory_space<vmem>>
      %dma_start3A_705 = tpu.memref_squeeze %dma_start3A_704 : memref<1x64x128xf32, #tpu.memory_space<vmem>> -> memref<64x128xf32, #tpu.memory_space<vmem>>
      tpu.enqueue_dma source(%dma_start3A_705 : memref<64x128xf32, #tpu.memory_space<vmem>>) target(%dma_start3A_701 : memref<64x128xf32, #tpu.memory_space<hbm>>) target_semaphore(%arg31 : memref<!tpu.dma_semaphore, #tpu.memory_space<semaphore_mem>>)
      %mul3A_706 = arith.constant 14 : i32
      %mul3A_707 = arith.muli %scan3A_236, %mul3A_706 : i32
      %add3A_708 = arith.constant 11 : i32
      %add3A_709 = arith.addi %mul3A_707, %add3A_708 : i32
      %ge3A_710 = arith.constant 2 : i32
      %ge3A_711 = arith.cmpi sge, %add3A_709, %ge3A_710 : i32
      %convert_element_type3A_712 = arith.extui %ge3A_711 : i1 to i32
      %cond3A_713 = arith.constant 0 : i32
      %cond3A_714 = arith.cmpi ne, %convert_element_type3A_712, %cond3A_713 : i32
      scf.if %cond3A_714 {
        %sub3A = arith.constant 2 : i32
        %sub3A_835 = arith.subi %add3A_709, %sub3A : i32
        %mul3A_836 = arith.constant 64 : i32
        %mul3A_837 = arith.muli %sub3A_835, %mul3A_836 : i32
        %add3A_838 = arith.addi %mul3A_2, %mul3A_837 : i32
        %dma_wait3A_839 = arith.constant 9 : i32
        %dma_wait3A_840 = arith.constant 0 : i32
        %dma_wait3A_841 = arith.constant 0 : i32
        %dma_wait3A_842 = tpu.memref_slice %arg6[%dma_wait3A_839, %dma_wait3A_840, %dma_wait3A_841] : memref<14x64x128xf32, #tpu.memory_space<vmem>> -> memref<1x64x128xf32, #tpu.memory_space<vmem>>
        %dma_wait3A_843 = tpu.memref_squeeze %dma_wait3A_842 : memref<1x64x128xf32, #tpu.memory_space<vmem>> -> memref<64x128xf32, #tpu.memory_space<vmem>>
        %dma_wait3A_844 = arith.constant 0 : i32
        %dma_wait3A_845 = tpu.memref_slice %arg4[%add3A_838, %dma_wait3A_844] : memref<204800x128xf32, #tpu.memory_space<hbm>> -> memref<64x128xf32, #tpu.memory_space<hbm>>
        %dma_wait3A_846 = arith.constant 0 : i32
        %dma_wait3A_847 = tpu.memref_slice %arg4[%add3A_838, %dma_wait3A_846] : memref<204800x128xf32, #tpu.memory_space<hbm>> -> memref<64x128xf32, #tpu.memory_space<hbm>>
        %dma_wait3A_848 = arith.constant 0 : i32
        %dma_wait3A_849 = arith.constant 0 : i32
        %dma_wait3A_850 = tpu.memref_slice %arg6[%dma_wait3A_839, %dma_wait3A_848, %dma_wait3A_849] : memref<14x64x128xf32, #tpu.memory_space<vmem>> -> memref<1x64x128xf32, #tpu.memory_space<vmem>>
        %dma_wait3A_851 = tpu.memref_squeeze %dma_wait3A_850 : memref<1x64x128xf32, #tpu.memory_space<vmem>> -> memref<64x128xf32, #tpu.memory_space<vmem>>
        tpu.wait_dma2 semaphore(%arg30 : memref<!tpu.dma_semaphore, #tpu.memory_space<semaphore_mem>>) src(%dma_wait3A_851 : memref<64x128xf32, #tpu.memory_space<vmem>>) dst(%dma_wait3A_847 : memref<64x128xf32, #tpu.memory_space<hbm>>)
      } else {
      }
      %add3A_715 = arith.constant 12 : i32
      %add3A_716 = arith.addi %add3A_709, %add3A_715 : i32
      %lt3A_717 = arith.constant 100 : i32
      %lt3A_718 = arith.cmpi slt, %add3A_716, %lt3A_717 : i32
      %convert_element_type3A_719 = arith.extui %lt3A_718 : i1 to i32
      %cond3A_720 = arith.constant 0 : i32
      %cond3A_721 = arith.cmpi ne, %convert_element_type3A_719, %cond3A_720 : i32
      scf.if %cond3A_721 {
        %add3A_835 = arith.constant 12 : i32
        %add3A_836 = arith.addi %add3A_709, %add3A_835 : i32
        %mul3A_837 = arith.constant 64 : i32
        %mul3A_838 = arith.muli %add3A_836, %mul3A_837 : i32
        %dma_start3A_839 = arith.constant 9 : i32
        %dma_start3A_840 = arith.constant 0 : i32
        %dma_start3A_841 = arith.constant 0 : i32
        %dma_start3A_842 = tpu.memref_slice %arg6[%dma_start3A_839, %dma_start3A_840, %dma_start3A_841] : memref<14x64x128xf32, #tpu.memory_space<vmem>> -> memref<1x64x128xf32, #tpu.memory_space<vmem>>
        %dma_start3A_843 = tpu.memref_squeeze %dma_start3A_842 : memref<1x64x128xf32, #tpu.memory_space<vmem>> -> memref<64x128xf32, #tpu.memory_space<vmem>>
        %dma_start3A_844 = tpu.memref_slice %arg5[%mul3A_838] : memref<6400xi32, #tpu.memory_space<vmem>> -> memref<64xi32, #tpu.memory_space<vmem>>
        %dma_start3A_845 = arith.constant 0 : i32
        %dma_start3A_846 = arith.constant 0 : i32
        %dma_start3A_847 = tpu.memref_slice %arg3[%dma_start3A_845, %dma_start3A_846] : memref<100000x128xf32, #tpu.memory_space<hbm>> -> memref<100000x128xf32, #tpu.memory_space<hbm>>
        tpu.enqueue_indirect_dma source(%dma_start3A_847 : memref<100000x128xf32, #tpu.memory_space<hbm>>) target(%dma_start3A_843 : memref<64x128xf32, #tpu.memory_space<vmem>>) offsets(%dma_start3A_844 : memref<64xi32, #tpu.memory_space<vmem>>) semaphore(%arg16 : memref<!tpu.dma_semaphore, #tpu.memory_space<semaphore_mem>>)
      } else {
      }
      %mul3A_722 = arith.constant 64 : i32
      %mul3A_723 = arith.muli %add3A_709, %mul3A_722 : i32
      %dma_wait3A_724 = arith.constant 11 : i32
      %dma_wait3A_725 = arith.constant 0 : i32
      %dma_wait3A_726 = arith.constant 0 : i32
      %dma_wait3A_727 = tpu.memref_slice %arg6[%dma_wait3A_724, %dma_wait3A_725, %dma_wait3A_726] : memref<14x64x128xf32, #tpu.memory_space<vmem>> -> memref<1x64x128xf32, #tpu.memory_space<vmem>>
      %dma_wait3A_728 = tpu.memref_squeeze %dma_wait3A_727 : memref<1x64x128xf32, #tpu.memory_space<vmem>> -> memref<64x128xf32, #tpu.memory_space<vmem>>
      %dma_wait3A_729 = tpu.memref_slice %arg5[%mul3A_723] : memref<6400xi32, #tpu.memory_space<vmem>> -> memref<64xi32, #tpu.memory_space<vmem>>
      %dma_wait3A_730 = arith.constant 0 : i32
      %dma_wait3A_731 = arith.constant 0 : i32
      %dma_wait3A_732 = tpu.memref_slice %arg3[%dma_wait3A_730, %dma_wait3A_731] : memref<100000x128xf32, #tpu.memory_space<hbm>> -> memref<100000x128xf32, #tpu.memory_space<hbm>>
      tpu.wait_indirect_dma semaphore(%arg18 : memref<!tpu.dma_semaphore, #tpu.memory_space<semaphore_mem>>) src(%dma_wait3A_732 : memref<100000x128xf32, #tpu.memory_space<hbm>>) dst(%dma_wait3A_728 : memref<64x128xf32, #tpu.memory_space<vmem>>)
      %mul3A_733 = arith.constant 64 : i32
      %mul3A_734 = arith.muli %add3A_709, %mul3A_733 : i32
      %add3A_735 = arith.addi %mul3A_2, %mul3A_734 : i32
      %dma_start3A_736 = arith.constant 11 : i32
      %dma_start3A_737 = arith.constant 0 : i32
      %dma_start3A_738 = arith.constant 0 : i32
      %dma_start3A_739 = tpu.memref_slice %arg6[%dma_start3A_736, %dma_start3A_737, %dma_start3A_738] : memref<14x64x128xf32, #tpu.memory_space<vmem>> -> memref<1x64x128xf32, #tpu.memory_space<vmem>>
      %dma_start3A_740 = tpu.memref_squeeze %dma_start3A_739 : memref<1x64x128xf32, #tpu.memory_space<vmem>> -> memref<64x128xf32, #tpu.memory_space<vmem>>
      %dma_start3A_741 = arith.constant 0 : i32
      %dma_start3A_742 = tpu.memref_slice %arg4[%add3A_735, %dma_start3A_741] : memref<204800x128xf32, #tpu.memory_space<hbm>> -> memref<64x128xf32, #tpu.memory_space<hbm>>
      %dma_start3A_743 = arith.constant 0 : i32
      %dma_start3A_744 = tpu.memref_slice %arg4[%add3A_735, %dma_start3A_743] : memref<204800x128xf32, #tpu.memory_space<hbm>> -> memref<64x128xf32, #tpu.memory_space<hbm>>
      %dma_start3A_745 = arith.constant 0 : i32
      %dma_start3A_746 = arith.constant 0 : i32
      %dma_start3A_747 = tpu.memref_slice %arg6[%dma_start3A_736, %dma_start3A_745, %dma_start3A_746] : memref<14x64x128xf32, #tpu.memory_space<vmem>> -> memref<1x64x128xf32, #tpu.memory_space<vmem>>
      %dma_start3A_748 = tpu.memref_squeeze %dma_start3A_747 : memref<1x64x128xf32, #tpu.memory_space<vmem>> -> memref<64x128xf32, #tpu.memory_space<vmem>>
      tpu.enqueue_dma source(%dma_start3A_748 : memref<64x128xf32, #tpu.memory_space<vmem>>) target(%dma_start3A_744 : memref<64x128xf32, #tpu.memory_space<hbm>>) target_semaphore(%arg32 : memref<!tpu.dma_semaphore, #tpu.memory_space<semaphore_mem>>)
      %mul3A_749 = arith.constant 14 : i32
      %mul3A_750 = arith.muli %scan3A_236, %mul3A_749 : i32
      %add3A_751 = arith.constant 12 : i32
      %add3A_752 = arith.addi %mul3A_750, %add3A_751 : i32
      %ge3A_753 = arith.constant 2 : i32
      %ge3A_754 = arith.cmpi sge, %add3A_752, %ge3A_753 : i32
      %convert_element_type3A_755 = arith.extui %ge3A_754 : i1 to i32
      %cond3A_756 = arith.constant 0 : i32
      %cond3A_757 = arith.cmpi ne, %convert_element_type3A_755, %cond3A_756 : i32
      scf.if %cond3A_757 {
        %sub3A = arith.constant 2 : i32
        %sub3A_835 = arith.subi %add3A_752, %sub3A : i32
        %mul3A_836 = arith.constant 64 : i32
        %mul3A_837 = arith.muli %sub3A_835, %mul3A_836 : i32
        %add3A_838 = arith.addi %mul3A_2, %mul3A_837 : i32
        %dma_wait3A_839 = arith.constant 10 : i32
        %dma_wait3A_840 = arith.constant 0 : i32
        %dma_wait3A_841 = arith.constant 0 : i32
        %dma_wait3A_842 = tpu.memref_slice %arg6[%dma_wait3A_839, %dma_wait3A_840, %dma_wait3A_841] : memref<14x64x128xf32, #tpu.memory_space<vmem>> -> memref<1x64x128xf32, #tpu.memory_space<vmem>>
        %dma_wait3A_843 = tpu.memref_squeeze %dma_wait3A_842 : memref<1x64x128xf32, #tpu.memory_space<vmem>> -> memref<64x128xf32, #tpu.memory_space<vmem>>
        %dma_wait3A_844 = arith.constant 0 : i32
        %dma_wait3A_845 = tpu.memref_slice %arg4[%add3A_838, %dma_wait3A_844] : memref<204800x128xf32, #tpu.memory_space<hbm>> -> memref<64x128xf32, #tpu.memory_space<hbm>>
        %dma_wait3A_846 = arith.constant 0 : i32
        %dma_wait3A_847 = tpu.memref_slice %arg4[%add3A_838, %dma_wait3A_846] : memref<204800x128xf32, #tpu.memory_space<hbm>> -> memref<64x128xf32, #tpu.memory_space<hbm>>
        %dma_wait3A_848 = arith.constant 0 : i32
        %dma_wait3A_849 = arith.constant 0 : i32
        %dma_wait3A_850 = tpu.memref_slice %arg6[%dma_wait3A_839, %dma_wait3A_848, %dma_wait3A_849] : memref<14x64x128xf32, #tpu.memory_space<vmem>> -> memref<1x64x128xf32, #tpu.memory_space<vmem>>
        %dma_wait3A_851 = tpu.memref_squeeze %dma_wait3A_850 : memref<1x64x128xf32, #tpu.memory_space<vmem>> -> memref<64x128xf32, #tpu.memory_space<vmem>>
        tpu.wait_dma2 semaphore(%arg31 : memref<!tpu.dma_semaphore, #tpu.memory_space<semaphore_mem>>) src(%dma_wait3A_851 : memref<64x128xf32, #tpu.memory_space<vmem>>) dst(%dma_wait3A_847 : memref<64x128xf32, #tpu.memory_space<hbm>>)
      } else {
      }
      %add3A_758 = arith.constant 12 : i32
      %add3A_759 = arith.addi %add3A_752, %add3A_758 : i32
      %lt3A_760 = arith.constant 100 : i32
      %lt3A_761 = arith.cmpi slt, %add3A_759, %lt3A_760 : i32
      %convert_element_type3A_762 = arith.extui %lt3A_761 : i1 to i32
      %cond3A_763 = arith.constant 0 : i32
      %cond3A_764 = arith.cmpi ne, %convert_element_type3A_762, %cond3A_763 : i32
      scf.if %cond3A_764 {
        %add3A_835 = arith.constant 12 : i32
        %add3A_836 = arith.addi %add3A_752, %add3A_835 : i32
        %mul3A_837 = arith.constant 64 : i32
        %mul3A_838 = arith.muli %add3A_836, %mul3A_837 : i32
        %dma_start3A_839 = arith.constant 10 : i32
        %dma_start3A_840 = arith.constant 0 : i32
        %dma_start3A_841 = arith.constant 0 : i32
        %dma_start3A_842 = tpu.memref_slice %arg6[%dma_start3A_839, %dma_start3A_840, %dma_start3A_841] : memref<14x64x128xf32, #tpu.memory_space<vmem>> -> memref<1x64x128xf32, #tpu.memory_space<vmem>>
        %dma_start3A_843 = tpu.memref_squeeze %dma_start3A_842 : memref<1x64x128xf32, #tpu.memory_space<vmem>> -> memref<64x128xf32, #tpu.memory_space<vmem>>
        %dma_start3A_844 = tpu.memref_slice %arg5[%mul3A_838] : memref<6400xi32, #tpu.memory_space<vmem>> -> memref<64xi32, #tpu.memory_space<vmem>>
        %dma_start3A_845 = arith.constant 0 : i32
        %dma_start3A_846 = arith.constant 0 : i32
        %dma_start3A_847 = tpu.memref_slice %arg3[%dma_start3A_845, %dma_start3A_846] : memref<100000x128xf32, #tpu.memory_space<hbm>> -> memref<100000x128xf32, #tpu.memory_space<hbm>>
        tpu.enqueue_indirect_dma source(%dma_start3A_847 : memref<100000x128xf32, #tpu.memory_space<hbm>>) target(%dma_start3A_843 : memref<64x128xf32, #tpu.memory_space<vmem>>) offsets(%dma_start3A_844 : memref<64xi32, #tpu.memory_space<vmem>>) semaphore(%arg17 : memref<!tpu.dma_semaphore, #tpu.memory_space<semaphore_mem>>)
      } else {
      }
      %mul3A_765 = arith.constant 64 : i32
      %mul3A_766 = arith.muli %add3A_752, %mul3A_765 : i32
      %dma_wait3A_767 = arith.constant 12 : i32
      %dma_wait3A_768 = arith.constant 0 : i32
      %dma_wait3A_769 = arith.constant 0 : i32
      %dma_wait3A_770 = tpu.memref_slice %arg6[%dma_wait3A_767, %dma_wait3A_768, %dma_wait3A_769] : memref<14x64x128xf32, #tpu.memory_space<vmem>> -> memref<1x64x128xf32, #tpu.memory_space<vmem>>
      %dma_wait3A_771 = tpu.memref_squeeze %dma_wait3A_770 : memref<1x64x128xf32, #tpu.memory_space<vmem>> -> memref<64x128xf32, #tpu.memory_space<vmem>>
      %dma_wait3A_772 = tpu.memref_slice %arg5[%mul3A_766] : memref<6400xi32, #tpu.memory_space<vmem>> -> memref<64xi32, #tpu.memory_space<vmem>>
      %dma_wait3A_773 = arith.constant 0 : i32
      %dma_wait3A_774 = arith.constant 0 : i32
      %dma_wait3A_775 = tpu.memref_slice %arg3[%dma_wait3A_773, %dma_wait3A_774] : memref<100000x128xf32, #tpu.memory_space<hbm>> -> memref<100000x128xf32, #tpu.memory_space<hbm>>
      tpu.wait_indirect_dma semaphore(%arg19 : memref<!tpu.dma_semaphore, #tpu.memory_space<semaphore_mem>>) src(%dma_wait3A_775 : memref<100000x128xf32, #tpu.memory_space<hbm>>) dst(%dma_wait3A_771 : memref<64x128xf32, #tpu.memory_space<vmem>>)
      %mul3A_776 = arith.constant 64 : i32
      %mul3A_777 = arith.muli %add3A_752, %mul3A_776 : i32
      %add3A_778 = arith.addi %mul3A_2, %mul3A_777 : i32
      %dma_start3A_779 = arith.constant 12 : i32
      %dma_start3A_780 = arith.constant 0 : i32
      %dma_start3A_781 = arith.constant 0 : i32
      %dma_start3A_782 = tpu.memref_slice %arg6[%dma_start3A_779, %dma_start3A_780, %dma_start3A_781] : memref<14x64x128xf32, #tpu.memory_space<vmem>> -> memref<1x64x128xf32, #tpu.memory_space<vmem>>
      %dma_start3A_783 = tpu.memref_squeeze %dma_start3A_782 : memref<1x64x128xf32, #tpu.memory_space<vmem>> -> memref<64x128xf32, #tpu.memory_space<vmem>>
      %dma_start3A_784 = arith.constant 0 : i32
      %dma_start3A_785 = tpu.memref_slice %arg4[%add3A_778, %dma_start3A_784] : memref<204800x128xf32, #tpu.memory_space<hbm>> -> memref<64x128xf32, #tpu.memory_space<hbm>>
      %dma_start3A_786 = arith.constant 0 : i32
      %dma_start3A_787 = tpu.memref_slice %arg4[%add3A_778, %dma_start3A_786] : memref<204800x128xf32, #tpu.memory_space<hbm>> -> memref<64x128xf32, #tpu.memory_space<hbm>>
      %dma_start3A_788 = arith.constant 0 : i32
      %dma_start3A_789 = arith.constant 0 : i32
      %dma_start3A_790 = tpu.memref_slice %arg6[%dma_start3A_779, %dma_start3A_788, %dma_start3A_789] : memref<14x64x128xf32, #tpu.memory_space<vmem>> -> memref<1x64x128xf32, #tpu.memory_space<vmem>>
      %dma_start3A_791 = tpu.memref_squeeze %dma_start3A_790 : memref<1x64x128xf32, #tpu.memory_space<vmem>> -> memref<64x128xf32, #tpu.memory_space<vmem>>
      tpu.enqueue_dma source(%dma_start3A_791 : memref<64x128xf32, #tpu.memory_space<vmem>>) target(%dma_start3A_787 : memref<64x128xf32, #tpu.memory_space<hbm>>) target_semaphore(%arg33 : memref<!tpu.dma_semaphore, #tpu.memory_space<semaphore_mem>>)
      %mul3A_792 = arith.constant 14 : i32
      %mul3A_793 = arith.muli %scan3A_236, %mul3A_792 : i32
      %add3A_794 = arith.constant 13 : i32
      %add3A_795 = arith.addi %mul3A_793, %add3A_794 : i32
      %ge3A_796 = arith.constant 2 : i32
      %ge3A_797 = arith.cmpi sge, %add3A_795, %ge3A_796 : i32
      %convert_element_type3A_798 = arith.extui %ge3A_797 : i1 to i32
      %cond3A_799 = arith.constant 0 : i32
      %cond3A_800 = arith.cmpi ne, %convert_element_type3A_798, %cond3A_799 : i32
      scf.if %cond3A_800 {
        %sub3A = arith.constant 2 : i32
        %sub3A_835 = arith.subi %add3A_795, %sub3A : i32
        %mul3A_836 = arith.constant 64 : i32
        %mul3A_837 = arith.muli %sub3A_835, %mul3A_836 : i32
        %add3A_838 = arith.addi %mul3A_2, %mul3A_837 : i32
        %dma_wait3A_839 = arith.constant 11 : i32
        %dma_wait3A_840 = arith.constant 0 : i32
        %dma_wait3A_841 = arith.constant 0 : i32
        %dma_wait3A_842 = tpu.memref_slice %arg6[%dma_wait3A_839, %dma_wait3A_840, %dma_wait3A_841] : memref<14x64x128xf32, #tpu.memory_space<vmem>> -> memref<1x64x128xf32, #tpu.memory_space<vmem>>
        %dma_wait3A_843 = tpu.memref_squeeze %dma_wait3A_842 : memref<1x64x128xf32, #tpu.memory_space<vmem>> -> memref<64x128xf32, #tpu.memory_space<vmem>>
        %dma_wait3A_844 = arith.constant 0 : i32
        %dma_wait3A_845 = tpu.memref_slice %arg4[%add3A_838, %dma_wait3A_844] : memref<204800x128xf32, #tpu.memory_space<hbm>> -> memref<64x128xf32, #tpu.memory_space<hbm>>
        %dma_wait3A_846 = arith.constant 0 : i32
        %dma_wait3A_847 = tpu.memref_slice %arg4[%add3A_838, %dma_wait3A_846] : memref<204800x128xf32, #tpu.memory_space<hbm>> -> memref<64x128xf32, #tpu.memory_space<hbm>>
        %dma_wait3A_848 = arith.constant 0 : i32
        %dma_wait3A_849 = arith.constant 0 : i32
        %dma_wait3A_850 = tpu.memref_slice %arg6[%dma_wait3A_839, %dma_wait3A_848, %dma_wait3A_849] : memref<14x64x128xf32, #tpu.memory_space<vmem>> -> memref<1x64x128xf32, #tpu.memory_space<vmem>>
        %dma_wait3A_851 = tpu.memref_squeeze %dma_wait3A_850 : memref<1x64x128xf32, #tpu.memory_space<vmem>> -> memref<64x128xf32, #tpu.memory_space<vmem>>
        tpu.wait_dma2 semaphore(%arg32 : memref<!tpu.dma_semaphore, #tpu.memory_space<semaphore_mem>>) src(%dma_wait3A_851 : memref<64x128xf32, #tpu.memory_space<vmem>>) dst(%dma_wait3A_847 : memref<64x128xf32, #tpu.memory_space<hbm>>)
      } else {
      }
      %add3A_801 = arith.constant 12 : i32
      %add3A_802 = arith.addi %add3A_795, %add3A_801 : i32
      %lt3A_803 = arith.constant 100 : i32
      %lt3A_804 = arith.cmpi slt, %add3A_802, %lt3A_803 : i32
      %convert_element_type3A_805 = arith.extui %lt3A_804 : i1 to i32
      %cond3A_806 = arith.constant 0 : i32
      %cond3A_807 = arith.cmpi ne, %convert_element_type3A_805, %cond3A_806 : i32
      scf.if %cond3A_807 {
        %add3A_835 = arith.constant 12 : i32
        %add3A_836 = arith.addi %add3A_795, %add3A_835 : i32
        %mul3A_837 = arith.constant 64 : i32
        %mul3A_838 = arith.muli %add3A_836, %mul3A_837 : i32
        %dma_start3A_839 = arith.constant 11 : i32
        %dma_start3A_840 = arith.constant 0 : i32
        %dma_start3A_841 = arith.constant 0 : i32
        %dma_start3A_842 = tpu.memref_slice %arg6[%dma_start3A_839, %dma_start3A_840, %dma_start3A_841] : memref<14x64x128xf32, #tpu.memory_space<vmem>> -> memref<1x64x128xf32, #tpu.memory_space<vmem>>
        %dma_start3A_843 = tpu.memref_squeeze %dma_start3A_842 : memref<1x64x128xf32, #tpu.memory_space<vmem>> -> memref<64x128xf32, #tpu.memory_space<vmem>>
        %dma_start3A_844 = tpu.memref_slice %arg5[%mul3A_838] : memref<6400xi32, #tpu.memory_space<vmem>> -> memref<64xi32, #tpu.memory_space<vmem>>
        %dma_start3A_845 = arith.constant 0 : i32
        %dma_start3A_846 = arith.constant 0 : i32
        %dma_start3A_847 = tpu.memref_slice %arg3[%dma_start3A_845, %dma_start3A_846] : memref<100000x128xf32, #tpu.memory_space<hbm>> -> memref<100000x128xf32, #tpu.memory_space<hbm>>
        tpu.enqueue_indirect_dma source(%dma_start3A_847 : memref<100000x128xf32, #tpu.memory_space<hbm>>) target(%dma_start3A_843 : memref<64x128xf32, #tpu.memory_space<vmem>>) offsets(%dma_start3A_844 : memref<64xi32, #tpu.memory_space<vmem>>) semaphore(%arg18 : memref<!tpu.dma_semaphore, #tpu.memory_space<semaphore_mem>>)
      } else {
      }
      %mul3A_808 = arith.constant 64 : i32
      %mul3A_809 = arith.muli %add3A_795, %mul3A_808 : i32
      %dma_wait3A_810 = arith.constant 13 : i32
      %dma_wait3A_811 = arith.constant 0 : i32
      %dma_wait3A_812 = arith.constant 0 : i32
      %dma_wait3A_813 = tpu.memref_slice %arg6[%dma_wait3A_810, %dma_wait3A_811, %dma_wait3A_812] : memref<14x64x128xf32, #tpu.memory_space<vmem>> -> memref<1x64x128xf32, #tpu.memory_space<vmem>>
      %dma_wait3A_814 = tpu.memref_squeeze %dma_wait3A_813 : memref<1x64x128xf32, #tpu.memory_space<vmem>> -> memref<64x128xf32, #tpu.memory_space<vmem>>
      %dma_wait3A_815 = tpu.memref_slice %arg5[%mul3A_809] : memref<6400xi32, #tpu.memory_space<vmem>> -> memref<64xi32, #tpu.memory_space<vmem>>
      %dma_wait3A_816 = arith.constant 0 : i32
      %dma_wait3A_817 = arith.constant 0 : i32
      %dma_wait3A_818 = tpu.memref_slice %arg3[%dma_wait3A_816, %dma_wait3A_817] : memref<100000x128xf32, #tpu.memory_space<hbm>> -> memref<100000x128xf32, #tpu.memory_space<hbm>>
      tpu.wait_indirect_dma semaphore(%arg20 : memref<!tpu.dma_semaphore, #tpu.memory_space<semaphore_mem>>) src(%dma_wait3A_818 : memref<100000x128xf32, #tpu.memory_space<hbm>>) dst(%dma_wait3A_814 : memref<64x128xf32, #tpu.memory_space<vmem>>)
      %mul3A_819 = arith.constant 64 : i32
      %mul3A_820 = arith.muli %add3A_795, %mul3A_819 : i32
      %add3A_821 = arith.addi %mul3A_2, %mul3A_820 : i32
      %dma_start3A_822 = arith.constant 13 : i32
      %dma_start3A_823 = arith.constant 0 : i32
      %dma_start3A_824 = arith.constant 0 : i32
      %dma_start3A_825 = tpu.memref_slice %arg6[%dma_start3A_822, %dma_start3A_823, %dma_start3A_824] : memref<14x64x128xf32, #tpu.memory_space<vmem>> -> memref<1x64x128xf32, #tpu.memory_space<vmem>>
      %dma_start3A_826 = tpu.memref_squeeze %dma_start3A_825 : memref<1x64x128xf32, #tpu.memory_space<vmem>> -> memref<64x128xf32, #tpu.memory_space<vmem>>
      %dma_start3A_827 = arith.constant 0 : i32
      %dma_start3A_828 = tpu.memref_slice %arg4[%add3A_821, %dma_start3A_827] : memref<204800x128xf32, #tpu.memory_space<hbm>> -> memref<64x128xf32, #tpu.memory_space<hbm>>
      %dma_start3A_829 = arith.constant 0 : i32
      %dma_start3A_830 = tpu.memref_slice %arg4[%add3A_821, %dma_start3A_829] : memref<204800x128xf32, #tpu.memory_space<hbm>> -> memref<64x128xf32, #tpu.memory_space<hbm>>
      %dma_start3A_831 = arith.constant 0 : i32
      %dma_start3A_832 = arith.constant 0 : i32
      %dma_start3A_833 = tpu.memref_slice %arg6[%dma_start3A_822, %dma_start3A_831, %dma_start3A_832] : memref<14x64x128xf32, #tpu.memory_space<vmem>> -> memref<1x64x128xf32, #tpu.memory_space<vmem>>
      %dma_start3A_834 = tpu.memref_squeeze %dma_start3A_833 : memref<1x64x128xf32, #tpu.memory_space<vmem>> -> memref<64x128xf32, #tpu.memory_space<vmem>>
      tpu.enqueue_dma source(%dma_start3A_834 : memref<64x128xf32, #tpu.memory_space<vmem>>) target(%dma_start3A_830 : memref<64x128xf32, #tpu.memory_space<hbm>>) target_semaphore(%arg34 : memref<!tpu.dma_semaphore, #tpu.memory_space<semaphore_mem>>)
    }
    %scan3A_126 = arith.constant 7 : i32
    %add3A_127 = arith.constant 6144 : i32
    %add3A_128 = arith.addi %mul3A_2, %add3A_127 : i32
    %dma_wait3A = arith.constant 12 : i32
    %dma_wait3A_129 = arith.constant 0 : i32
    %dma_wait3A_130 = arith.constant 0 : i32
    %dma_wait3A_131 = tpu.memref_slice %arg6[%dma_wait3A, %dma_wait3A_129, %dma_wait3A_130] : memref<14x64x128xf32, #tpu.memory_space<vmem>> -> memref<1x64x128xf32, #tpu.memory_space<vmem>>
    %dma_wait3A_132 = tpu.memref_squeeze %dma_wait3A_131 : memref<1x64x128xf32, #tpu.memory_space<vmem>> -> memref<64x128xf32, #tpu.memory_space<vmem>>
    %dma_wait3A_133 = arith.constant 0 : i32
    %dma_wait3A_134 = tpu.memref_slice %arg4[%add3A_128, %dma_wait3A_133] : memref<204800x128xf32, #tpu.memory_space<hbm>> -> memref<64x128xf32, #tpu.memory_space<hbm>>
    %dma_wait3A_135 = arith.constant 0 : i32
    %dma_wait3A_136 = tpu.memref_slice %arg4[%add3A_128, %dma_wait3A_135] : memref<204800x128xf32, #tpu.memory_space<hbm>> -> memref<64x128xf32, #tpu.memory_space<hbm>>
    %dma_wait3A_137 = arith.constant 0 : i32
    %dma_wait3A_138 = arith.constant 0 : i32
    %dma_wait3A_139 = tpu.memref_slice %arg6[%dma_wait3A, %dma_wait3A_137, %dma_wait3A_138] : memref<14x64x128xf32, #tpu.memory_space<vmem>> -> memref<1x64x128xf32, #tpu.memory_space<vmem>>
    %dma_wait3A_140 = tpu.memref_squeeze %dma_wait3A_139 : memref<1x64x128xf32, #tpu.memory_space<vmem>> -> memref<64x128xf32, #tpu.memory_space<vmem>>
    tpu.wait_dma2 semaphore(%arg33 : memref<!tpu.dma_semaphore, #tpu.memory_space<semaphore_mem>>) src(%dma_wait3A_140 : memref<64x128xf32, #tpu.memory_space<vmem>>) dst(%dma_wait3A_136 : memref<64x128xf32, #tpu.memory_space<hbm>>)
    %dma_wait3A_141 = arith.constant 0 : i32
    %dma_wait3A_142 = arith.constant 0 : i32
    %dma_wait3A_143 = arith.constant 0 : i32
    %dma_wait3A_144 = tpu.memref_slice %arg6[%dma_wait3A_141, %dma_wait3A_142, %dma_wait3A_143] : memref<14x64x128xf32, #tpu.memory_space<vmem>> -> memref<1x64x128xf32, #tpu.memory_space<vmem>>
    %dma_wait3A_145 = tpu.memref_squeeze %dma_wait3A_144 : memref<1x64x128xf32, #tpu.memory_space<vmem>> -> memref<64x128xf32, #tpu.memory_space<vmem>>
    %dma_wait3A_146 = arith.constant 6272 : i32
    %dma_wait3A_147 = tpu.memref_slice %arg5[%dma_wait3A_146] : memref<6400xi32, #tpu.memory_space<vmem>> -> memref<64xi32, #tpu.memory_space<vmem>>
    %dma_wait3A_148 = arith.constant 0 : i32
    %dma_wait3A_149 = arith.constant 0 : i32
    %dma_wait3A_150 = tpu.memref_slice %arg3[%dma_wait3A_148, %dma_wait3A_149] : memref<100000x128xf32, #tpu.memory_space<hbm>> -> memref<100000x128xf32, #tpu.memory_space<hbm>>
    tpu.wait_indirect_dma semaphore(%arg7 : memref<!tpu.dma_semaphore, #tpu.memory_space<semaphore_mem>>) src(%dma_wait3A_150 : memref<100000x128xf32, #tpu.memory_space<hbm>>) dst(%dma_wait3A_145 : memref<64x128xf32, #tpu.memory_space<vmem>>)
    %add3A_151 = arith.constant 6272 : i32
    %add3A_152 = arith.addi %mul3A_2, %add3A_151 : i32
    %dma_start3A_153 = arith.constant 0 : i32
    %dma_start3A_154 = arith.constant 0 : i32
    %dma_start3A_155 = arith.constant 0 : i32
    %dma_start3A_156 = tpu.memref_slice %arg6[%dma_start3A_153, %dma_start3A_154, %dma_start3A_155] : memref<14x64x128xf32, #tpu.memory_space<vmem>> -> memref<1x64x128xf32, #tpu.memory_space<vmem>>
    %dma_start3A_157 = tpu.memref_squeeze %dma_start3A_156 : memref<1x64x128xf32, #tpu.memory_space<vmem>> -> memref<64x128xf32, #tpu.memory_space<vmem>>
    %dma_start3A_158 = arith.constant 0 : i32
    %dma_start3A_159 = tpu.memref_slice %arg4[%add3A_152, %dma_start3A_158] : memref<204800x128xf32, #tpu.memory_space<hbm>> -> memref<64x128xf32, #tpu.memory_space<hbm>>
    %dma_start3A_160 = arith.constant 0 : i32
    %dma_start3A_161 = tpu.memref_slice %arg4[%add3A_152, %dma_start3A_160] : memref<204800x128xf32, #tpu.memory_space<hbm>> -> memref<64x128xf32, #tpu.memory_space<hbm>>
    %dma_start3A_162 = arith.constant 0 : i32
    %dma_start3A_163 = arith.constant 0 : i32
    %dma_start3A_164 = tpu.memref_slice %arg6[%dma_start3A_153, %dma_start3A_162, %dma_start3A_163] : memref<14x64x128xf32, #tpu.memory_space<vmem>> -> memref<1x64x128xf32, #tpu.memory_space<vmem>>
    %dma_start3A_165 = tpu.memref_squeeze %dma_start3A_164 : memref<1x64x128xf32, #tpu.memory_space<vmem>> -> memref<64x128xf32, #tpu.memory_space<vmem>>
    tpu.enqueue_dma source(%dma_start3A_165 : memref<64x128xf32, #tpu.memory_space<vmem>>) target(%dma_start3A_161 : memref<64x128xf32, #tpu.memory_space<hbm>>) target_semaphore(%arg21 : memref<!tpu.dma_semaphore, #tpu.memory_space<semaphore_mem>>)
    %add3A_166 = arith.constant 6208 : i32
    %add3A_167 = arith.addi %mul3A_2, %add3A_166 : i32
    %dma_wait3A_168 = arith.constant 13 : i32
    %dma_wait3A_169 = arith.constant 0 : i32
    %dma_wait3A_170 = arith.constant 0 : i32
    %dma_wait3A_171 = tpu.memref_slice %arg6[%dma_wait3A_168, %dma_wait3A_169, %dma_wait3A_170] : memref<14x64x128xf32, #tpu.memory_space<vmem>> -> memref<1x64x128xf32, #tpu.memory_space<vmem>>
    %dma_wait3A_172 = tpu.memref_squeeze %dma_wait3A_171 : memref<1x64x128xf32, #tpu.memory_space<vmem>> -> memref<64x128xf32, #tpu.memory_space<vmem>>
    %dma_wait3A_173 = arith.constant 0 : i32
    %dma_wait3A_174 = tpu.memref_slice %arg4[%add3A_167, %dma_wait3A_173] : memref<204800x128xf32, #tpu.memory_space<hbm>> -> memref<64x128xf32, #tpu.memory_space<hbm>>
    %dma_wait3A_175 = arith.constant 0 : i32
    %dma_wait3A_176 = tpu.memref_slice %arg4[%add3A_167, %dma_wait3A_175] : memref<204800x128xf32, #tpu.memory_space<hbm>> -> memref<64x128xf32, #tpu.memory_space<hbm>>
    %dma_wait3A_177 = arith.constant 0 : i32
    %dma_wait3A_178 = arith.constant 0 : i32
    %dma_wait3A_179 = tpu.memref_slice %arg6[%dma_wait3A_168, %dma_wait3A_177, %dma_wait3A_178] : memref<14x64x128xf32, #tpu.memory_space<vmem>> -> memref<1x64x128xf32, #tpu.memory_space<vmem>>
    %dma_wait3A_180 = tpu.memref_squeeze %dma_wait3A_179 : memref<1x64x128xf32, #tpu.memory_space<vmem>> -> memref<64x128xf32, #tpu.memory_space<vmem>>
    tpu.wait_dma2 semaphore(%arg34 : memref<!tpu.dma_semaphore, #tpu.memory_space<semaphore_mem>>) src(%dma_wait3A_180 : memref<64x128xf32, #tpu.memory_space<vmem>>) dst(%dma_wait3A_176 : memref<64x128xf32, #tpu.memory_space<hbm>>)
    %dma_wait3A_181 = arith.constant 1 : i32
    %dma_wait3A_182 = arith.constant 0 : i32
    %dma_wait3A_183 = arith.constant 0 : i32
    %dma_wait3A_184 = tpu.memref_slice %arg6[%dma_wait3A_181, %dma_wait3A_182, %dma_wait3A_183] : memref<14x64x128xf32, #tpu.memory_space<vmem>> -> memref<1x64x128xf32, #tpu.memory_space<vmem>>
    %dma_wait3A_185 = tpu.memref_squeeze %dma_wait3A_184 : memref<1x64x128xf32, #tpu.memory_space<vmem>> -> memref<64x128xf32, #tpu.memory_space<vmem>>
    %dma_wait3A_186 = arith.constant 6336 : i32
    %dma_wait3A_187 = tpu.memref_slice %arg5[%dma_wait3A_186] : memref<6400xi32, #tpu.memory_space<vmem>> -> memref<64xi32, #tpu.memory_space<vmem>>
    %dma_wait3A_188 = arith.constant 0 : i32
    %dma_wait3A_189 = arith.constant 0 : i32
    %dma_wait3A_190 = tpu.memref_slice %arg3[%dma_wait3A_188, %dma_wait3A_189] : memref<100000x128xf32, #tpu.memory_space<hbm>> -> memref<100000x128xf32, #tpu.memory_space<hbm>>
    tpu.wait_indirect_dma semaphore(%arg8 : memref<!tpu.dma_semaphore, #tpu.memory_space<semaphore_mem>>) src(%dma_wait3A_190 : memref<100000x128xf32, #tpu.memory_space<hbm>>) dst(%dma_wait3A_185 : memref<64x128xf32, #tpu.memory_space<vmem>>)
    %add3A_191 = arith.constant 6336 : i32
    %add3A_192 = arith.addi %mul3A_2, %add3A_191 : i32
    %dma_start3A_193 = arith.constant 1 : i32
    %dma_start3A_194 = arith.constant 0 : i32
    %dma_start3A_195 = arith.constant 0 : i32
    %dma_start3A_196 = tpu.memref_slice %arg6[%dma_start3A_193, %dma_start3A_194, %dma_start3A_195] : memref<14x64x128xf32, #tpu.memory_space<vmem>> -> memref<1x64x128xf32, #tpu.memory_space<vmem>>
    %dma_start3A_197 = tpu.memref_squeeze %dma_start3A_196 : memref<1x64x128xf32, #tpu.memory_space<vmem>> -> memref<64x128xf32, #tpu.memory_space<vmem>>
    %dma_start3A_198 = arith.constant 0 : i32
    %dma_start3A_199 = tpu.memref_slice %arg4[%add3A_192, %dma_start3A_198] : memref<204800x128xf32, #tpu.memory_space<hbm>> -> memref<64x128xf32, #tpu.memory_space<hbm>>
    %dma_start3A_200 = arith.constant 0 : i32
    %dma_start3A_201 = tpu.memref_slice %arg4[%add3A_192, %dma_start3A_200] : memref<204800x128xf32, #tpu.memory_space<hbm>> -> memref<64x128xf32, #tpu.memory_space<hbm>>
    %dma_start3A_202 = arith.constant 0 : i32
    %dma_start3A_203 = arith.constant 0 : i32
    %dma_start3A_204 = tpu.memref_slice %arg6[%dma_start3A_193, %dma_start3A_202, %dma_start3A_203] : memref<14x64x128xf32, #tpu.memory_space<vmem>> -> memref<1x64x128xf32, #tpu.memory_space<vmem>>
    %dma_start3A_205 = tpu.memref_squeeze %dma_start3A_204 : memref<1x64x128xf32, #tpu.memory_space<vmem>> -> memref<64x128xf32, #tpu.memory_space<vmem>>
    tpu.enqueue_dma source(%dma_start3A_205 : memref<64x128xf32, #tpu.memory_space<vmem>>) target(%dma_start3A_201 : memref<64x128xf32, #tpu.memory_space<hbm>>) target_semaphore(%arg22 : memref<!tpu.dma_semaphore, #tpu.memory_space<semaphore_mem>>)
    %add3A_206 = arith.constant 6272 : i32
    %add3A_207 = arith.addi %mul3A_2, %add3A_206 : i32
    %dma_wait3A_208 = arith.constant 0 : i32
    %dma_wait3A_209 = arith.constant 0 : i32
    %dma_wait3A_210 = arith.constant 0 : i32
    %dma_wait3A_211 = tpu.memref_slice %arg6[%dma_wait3A_208, %dma_wait3A_209, %dma_wait3A_210] : memref<14x64x128xf32, #tpu.memory_space<vmem>> -> memref<1x64x128xf32, #tpu.memory_space<vmem>>
    %dma_wait3A_212 = tpu.memref_squeeze %dma_wait3A_211 : memref<1x64x128xf32, #tpu.memory_space<vmem>> -> memref<64x128xf32, #tpu.memory_space<vmem>>
    %dma_wait3A_213 = arith.constant 0 : i32
    %dma_wait3A_214 = tpu.memref_slice %arg4[%add3A_207, %dma_wait3A_213] : memref<204800x128xf32, #tpu.memory_space<hbm>> -> memref<64x128xf32, #tpu.memory_space<hbm>>
    %dma_wait3A_215 = arith.constant 0 : i32
    %dma_wait3A_216 = tpu.memref_slice %arg4[%add3A_207, %dma_wait3A_215] : memref<204800x128xf32, #tpu.memory_space<hbm>> -> memref<64x128xf32, #tpu.memory_space<hbm>>
    %dma_wait3A_217 = arith.constant 0 : i32
    %dma_wait3A_218 = arith.constant 0 : i32
    %dma_wait3A_219 = tpu.memref_slice %arg6[%dma_wait3A_208, %dma_wait3A_217, %dma_wait3A_218] : memref<14x64x128xf32, #tpu.memory_space<vmem>> -> memref<1x64x128xf32, #tpu.memory_space<vmem>>
    %dma_wait3A_220 = tpu.memref_squeeze %dma_wait3A_219 : memref<1x64x128xf32, #tpu.memory_space<vmem>> -> memref<64x128xf32, #tpu.memory_space<vmem>>
    tpu.wait_dma2 semaphore(%arg21 : memref<!tpu.dma_semaphore, #tpu.memory_space<semaphore_mem>>) src(%dma_wait3A_220 : memref<64x128xf32, #tpu.memory_space<vmem>>) dst(%dma_wait3A_216 : memref<64x128xf32, #tpu.memory_space<hbm>>)
    %add3A_221 = arith.constant 6336 : i32
    %add3A_222 = arith.addi %mul3A_2, %add3A_221 : i32
    %dma_wait3A_223 = arith.constant 1 : i32
    %dma_wait3A_224 = arith.constant 0 : i32
    %dma_wait3A_225 = arith.constant 0 : i32
    %dma_wait3A_226 = tpu.memref_slice %arg6[%dma_wait3A_223, %dma_wait3A_224, %dma_wait3A_225] : memref<14x64x128xf32, #tpu.memory_space<vmem>> -> memref<1x64x128xf32, #tpu.memory_space<vmem>>
    %dma_wait3A_227 = tpu.memref_squeeze %dma_wait3A_226 : memref<1x64x128xf32, #tpu.memory_space<vmem>> -> memref<64x128xf32, #tpu.memory_space<vmem>>
    %dma_wait3A_228 = arith.constant 0 : i32
    %dma_wait3A_229 = tpu.memref_slice %arg4[%add3A_222, %dma_wait3A_228] : memref<204800x128xf32, #tpu.memory_space<hbm>> -> memref<64x128xf32, #tpu.memory_space<hbm>>
    %dma_wait3A_230 = arith.constant 0 : i32
    %dma_wait3A_231 = tpu.memref_slice %arg4[%add3A_222, %dma_wait3A_230] : memref<204800x128xf32, #tpu.memory_space<hbm>> -> memref<64x128xf32, #tpu.memory_space<hbm>>
    %dma_wait3A_232 = arith.constant 0 : i32
    %dma_wait3A_233 = arith.constant 0 : i32
    %dma_wait3A_234 = tpu.memref_slice %arg6[%dma_wait3A_223, %dma_wait3A_232, %dma_wait3A_233] : memref<14x64x128xf32, #tpu.memory_space<vmem>> -> memref<1x64x128xf32, #tpu.memory_space<vmem>>
    %dma_wait3A_235 = tpu.memref_squeeze %dma_wait3A_234 : memref<1x64x128xf32, #tpu.memory_space<vmem>> -> memref<64x128xf32, #tpu.memory_space<vmem>>
    tpu.wait_dma2 semaphore(%arg22 : memref<!tpu.dma_semaphore, #tpu.memory_space<semaphore_mem>>) src(%dma_wait3A_235 : memref<64x128xf32, #tpu.memory_space<vmem>>) dst(%dma_wait3A_231 : memref<64x128xf32, #tpu.memory_space<hbm>>)
    return
  }
}

</mosaic_0001>

<sc_bundles>
// kernel: kernel.3.cloned.1.call-start
scs
__scs_entry_jumppad:
0x0: {  	(pc) =	sbr.rel $0x88, $3  }
0x1: {  	(tag) =	ssettag $0x0;
	lr =	simm.s32 $0x1  }
0x2: {  	[smem:$0x3F9F] =	sst lr;
	_ =	strace $0xD0000000  }
0x3: {  	_ = 	snop  }
0x4: {  	_ = 	snop  }
0x5: {  	_ = 	snop  }
0x6: {  	_ = 	snop  }
0x7: {  	_ = 	snop  }
__scs_overlays_trampoline_lowered:
0x8: {  	[smem:$0x3FAE] =	sst s0  }
0x9: {  	[smem:$0x3FAF] =	sst s1  }
0xa: {  	[smem:$0x3FB0] =	sst s2  }
0xb: {  	[smem:$0x3FB1] =	sst s3  }
0xc: {  	[smem:$0x3FB2] =	sst s4  }
0xd: {  	[smem:$0x3FB3] =	sst s5  }
0xe: {  	[smem:$0x3FB4] =	sst s6  }
0xf: {  	[smem:$0x3FB5] =	sst s7  }
0x10: {  	[smem:$0x3FB6] =	sst s8  }
0x11: {  	[smem:$0x3FB7] =	sst s9;
	s0 =	simm.s32 @!p0 $0x0  }
0x12: {  	s1 =	sld [smem:$0x3F9D];
	s0 =	simm.s32 @p0 $0x1  }
0x13: {  	[smem:$0x3FB8] =	sst s0;
	s0 =	simm.s32 @!p1 $0x0  }
0x14: {  	s2 =	sld [smem:$0x3F9C];
	s0 =	simm.s32 @p1 $0x1  }
0x15: {  	[smem:$0x3FB9] =	sst s0;
	s0 =	simm.s32 @!p2 $0x0  }
0x16: {  	s3 =	sld [smem:$0x3FDB];
	s0 =	simm.s32 @p2 $0x1  }
0x17: {  	s4 =	simm.s32 $0x1BF5;
	[smem:$0x3FBB] =	sst s0  }
0x18: {  	s0 =	sld [smem:$0x3F9E];
	_ =	swait.ge [sflag:s4], $0x0  }
0x19: {  	s7 =	sld [smem:$0x3F9F]  }
0x1a: {  	s8 =	sadd.s32 $0xFFFFE003, lr  }
0x1b: {  	s9 =	sadd.s32 $0xFFFFFEF7, lr;
	s5 =	simm.s32 $0xFFFFFFFF;
	p2 =	slt.u32 s8, $0xFFFFF086  }
0x1c: {  	p1 =	slt.u32 s9, $0xF7A;
	s5 =	simm.s32 @!p2 $0x0  }
0x1d: {  	s5 =	simm.s32 @p1 $0x1;
	p0 =	seq.s32 s7, s2  }
0x1e: {  	s7 =	smul.u32 @!p0 $0xF7A, s2;
	p2 =	seq.s32 @!p0 s5, $0x0  }
0x1f: {  	s9 =	smul.u32 $0xF7A, s1;
	s8 =	simm.s32 @!p0 $0x1BF5;
	p2 =	por !p2, p0  }
0x20: {  	[sflag:s8] =	ssyncset.s32 @!p0 $0xFFFFF086;
	s6 =	sadd.s32 @!p0 s3, s7;
	s7 =	simm.s32 @!p0 $0x108  }
0x21: {  	s3 =	sadd.s32 s3, s9;
	s6 =	sadd.s32 @!p0 $0x88, s6;
	s7 =	simm.s32 @p2 $0x1082  }
0x22: {  	[simem:s7], [sflag:s8] =	dma.local @!p0 [hbm:s6], $0xF7A  }
0x23: {  	s9 =	sor.u32 $0xD0000000, s2;
	s6 =	simm.s32 $0x108;
	_ =	swait.ge @!p0 [sflag:s8], $0x0  }
0x24: {  	s3 =	sadd.s32 $0x88, s3;
	s6 =	simm.s32 @!p1 $0x1082;
	[sflag:s4] =	ssyncset.s32 $0xFFFFF086  }
0x25: {  	[simem:s6], [sflag:s4] =	dma.local [hbm:s3], $0xF7A  }
0x26: {  	[smem:$0x3F9F] =	sst s1;
	(tag) =	ssettag s2;
	_ =	strace s9  }
0x27: {  	s1 =	sld [smem:$0x3FAF]  }
0x28: {  	s2 =	sld [smem:$0x3FB0]  }
0x29: {  	s4 =	sld [smem:$0x3FB2]  }
0x2a: {  	p0 =	seq.s32 s5, $0x0;
	s5 =	sld [smem:$0x3FB3]  }
0x2b: {  	s6 =	sld [smem:$0x3FB4]  }
0x2c: {  	s7 =	sld [smem:$0x3FB5]  }
0x2d: {  	s3 =	simm.s32 $0x108;
	s8 =	sld [smem:$0x3FB6]  }
0x2e: {  	s3 =	simm.s32 @!p0 $0x1082;
	s9 =	sld [smem:$0x3FB7]  }
0x2f: {  	lr =	sadd.s32 s0, s3;
	s0 =	sld [smem:$0x3FAE]  }
0x30: {  	s3 =	sld [smem:$0x3FB1]  }
0x31: {  	[smem:$0x3FBA] =	sst s10  }
0x32: {  	s10 =	sld [smem:$0x3FB8];
	_ =	sdelay $0x3  }
0x33: {  	p0 =	seq.s32 s10, $0x1;
	s10 =	sld [smem:$0x3FBA];
	_ =	sdelay $0x3  }
0x34: {  	[smem:$0x3FBA] =	sst s10  }
0x35: {  	s10 =	sld [smem:$0x3FB9];
	_ =	sdelay $0x3  }
0x36: {  	p1 =	seq.s32 s10, $0x1;
	s10 =	sld [smem:$0x3FBA];
	_ =	sdelay $0x3  }
0x37: {  	[smem:$0x3FBA] =	sst s10  }
0x38: {  	s10 =	sld [smem:$0x3FBB]  }
0x39: {  	_ = 	snop;
	(pc) =	sbr.ind lr, $3  }
0x3a: {  	_ = 	snop  }
0x3b: {  	_ = 	snop  }
0x3c: {  	p2 =	seq.s32 s10, $0x1;
	s10 =	sld [smem:$0x3FBA]  }
0x3d: {  	_ =	shalt  }
0x3e: {  	_ =	shalt  }
0x3f: {  	_ =	shalt  }
0x40: {  	_ =	shalt  }
0x41: {  	_ =	shalt  }
0x42: {  	_ =	shalt  }
0x43: {  	_ =	shalt  }
0x44: {  	_ =	shalt  }
0x45: {  	_ =	shalt  }
0x46: {  	_ =	shalt  }
0x47: {  	_ =	shalt  }
0x48: {  	_ =	shalt  }
0x49: {  	_ =	shalt  }
0x4a: {  	_ =	shalt  }
0x4b: {  	_ =	shalt  }
0x4c: {  	_ =	shalt  }
0x4d: {  	_ =	shalt  }
0x4e: {  	_ =	shalt  }
0x4f: {  	_ =	shalt  }
0x50: {  	_ =	shalt  }
0x51: {  	_ =	shalt  }
0x52: {  	_ =	shalt  }
0x53: {  	_ =	shalt  }
0x54: {  	_ =	shalt  }
0x55: {  	_ =	shalt  }
0x56: {  	_ =	shalt  }
0x57: {  	_ =	shalt  }
0x58: {  	_ =	shalt  }
0x59: {  	_ =	shalt  }
0x5a: {  	_ =	shalt  }
0x5b: {  	_ =	shalt  }
0x5c: {  	_ =	shalt  }
0x5d: {  	_ =	shalt  }
0x5e: {  	_ =	shalt  }
0x5f: {  	_ =	shalt  }
0x60: {  	_ =	shalt  }
0x61: {  	_ =	shalt  }
0x62: {  	_ =	shalt  }
0x63: {  	_ =	shalt  }
0x64: {  	_ =	shalt  }
0x65: {  	_ =	shalt  }
0x66: {  	_ =	shalt  }
0x67: {  	_ =	shalt  }
0x68: {  	_ =	shalt  }
0x69: {  	_ =	shalt  }
0x6a: {  	_ =	shalt  }
0x6b: {  	_ =	shalt  }
0x6c: {  	_ =	shalt  }
0x6d: {  	_ =	shalt  }
0x6e: {  	_ =	shalt  }
0x6f: {  	_ =	shalt  }
0x70: {  	_ =	shalt  }
0x71: {  	_ =	shalt  }
0x72: {  	_ =	shalt  }
0x73: {  	_ =	shalt  }
0x74: {  	_ =	shalt  }
0x75: {  	_ =	shalt  }
0x76: {  	_ =	shalt  }
0x77: {  	_ =	shalt  }
0x78: {  	_ =	shalt  }
0x79: {  	_ =	shalt  }
0x7a: {  	_ =	shalt  }
0x7b: {  	_ =	shalt  }
0x7c: {  	_ =	shalt  }
0x7d: {  	_ =	shalt  }
0x7e: {  	_ =	shalt  }
0x7f: {  	_ =	shalt  }
0x80: {  	_ =	shalt  }
0x81: {  	_ =	shalt  }
0x82: {  	_ =	shalt  }
0x83: {  	_ =	shalt  }
0x84: {  	_ =	shalt  }
0x85: {  	_ =	shalt  }
0x86: {  	_ =	shalt  }
0x87: {  	_ =	shalt  }
.Lfunc_end0:
.L_simem_size_0:
called_computation_lowered:
.L_overlay_start_0:
0x88: {  	s2 =	sld [smem:$0x3FD9]  }
0x89: {  	s3 =	sld [smem:$0x3FFE];
	_ =	sdelay $0x1  }
0x8a: {  	s1 =	srdreg.scid  }
0x8b: {  	s0 =	sand.u32 $0x1, s1  }
0x8c: {  	s17 =	sshll.u32 s0, $0xA;
	s2 =	sadd.s32 s3, s2  }
0x8d: {  	s2 =	sadd.s32 s2, s17  }
0x8e: {  	[smem:$0x3FC6] =	sst s2  }
0x8f: {  	_ = 	snop  }
0x90: {  	s2 =	sld [smem:$0x3FC8]  }
0x91: {  	s18 =	sld [smem:$0x3FD0];
	(tm) =	ssettm $0x1  }
0x92: {  	s4 =	sld [smem:$0x3FFB];
	_ =	sdelay $0x3  }
0x93: {  	_ =	strace s4  }
0x94: {  	s4 =	sld [smem:$0x3FFC];
	_ =	sdelay $0x3  }
0x95: {  	_ =	strace s4  }
0x96: {  	s4 =	sld [smem:$0x3FFD];
	_ =	sdelay $0x3  }
0x97: {  	_ =	strace s4  }
0x98: {  	_ =	strace $0x8FFFFFFF  }
0x99: {  	s19 =	sld [smem:$0x3FDB];
	_ =	sdelay $0x1  }
0x9a: {  	s5 =	simm.s32 $_scs_section_size  }
0x9b: {  	s6 =	simm.s32 $_size__tile_overlayer_lowered;
	s7 =	simm.s32 $_tile_overlayer_lowered  }
0x9c: {  	s22 =	simm.s32 $0x1BFF;
	s21 =	sshll.u32 s7, $0x1;
	s4 =	sadd.s32 s5, s19  }
0x9d: {  	s8 =	simm.s32 $0x0;
	s20 =	sshll.u32 s6, $0x1;
	s6 =	sadd.s32 s21, s4  }
0x9e: {  	[timem:s8], [sflag:s22] =	dma.local [hbm:s6], s20  }
0x9f: {  	_ =	swait.ge [sflag:s22], s20  }
0xa0: {  	s5 =	ssub.s32 $0x0, s20;
	[sflag:s22] =	ssyncset.done $0x0  }
0xa1: {  	[sflag:s22] =	ssyncadd.s32 s5;
	_ =	sdelay $0x1  }
0xa2: {  	s23 =	simm.s32 $0x1B8B  }
0xa3: {  	_ =	swait.ge [sflag:s23], $0x1  }
0xa4: {  	[sflag:s23] =	ssyncset.done $0x0  }
0xa5: {  	s25 =	simm.s32 $0x1B8E;
	s24 =	sld [smem:$0x3FFE];
	[sflag:s23] =	ssyncadd.s32 $0xFFFFFFFF  }
0xa6: {  	s26 =	simm.s32 $execute0_lowered;
	[smem:$0x3FD2] =	sst s25  }
0xa7: {  	s6 =	sshll.u32 s26, $0x1;
	_ =	strace $0x80000046;
	[dreg:$0x1] =	wrdreg $0xFFFFFFFF  }
0xa8: {  	s28 =	simm.s32 $_size_execute0_lowered;
	s4 =	sadd.s32 s4, s6;
	[dreg:$0x0] =	wrdreg $0x0  }
0xa9: {  	s6 =	sshll.u32 s28, $0x1;
	[dreg:$0x2] =	wrdreg s4  }
0xaa: {  	[dreg:$0x3] =	wrdreg s6  }
0xab: {  	[dreg:$0x4] =	wrdreg $0xC0  }
0xac: {  	_ =	task [dreg:s8], $0x5FFFF  }
0xad: {  	[dreg:$0x1] =	wrdreg $0xFFFFFFFF  }
0xae: {  	[dreg:$0x0] =	wrdreg $0x60  }
0xaf: {  	[dreg:$0x2] =	wrdreg s24  }
0xb0: {  	[dreg:$0x3] =	wrdreg s2  }
0xb1: {  	[dreg:$0x4] =	wrdreg s18  }
0xb2: {  	[dreg:$0x5] =	wrdreg $0x9  }
0xb3: {  	_ =	task.clear_ibuf [dreg:s8], $0x6FFFF;
	_ =	strace $0x90000046  }
0xb4: {  	s29 =	simm.s32 $0x9;
	_ =	strace $0x80000048  }
0xb5: {  	_ =	swait.ge [sflag:s29], $0x1  }
0xb6: {  	[sflag:s29] =	ssyncadd.s32 $0xFFFFFFFF  }
0xb7: {  	_ =	strace $0x90000048  }
0xb8: {  	_ =	sfence  }
0xb9: {  	s30 =	sld [smem:$0x0];
	_ =	sdelay $0x2  }
0xba: {  	s31 =	sshll.u32 s1, $0xD;
	s1 =	sshrl.u32 s1, $0x2  }
0xbb: {  	s3 =	sand.u32 $0x4000, s31;
	s1 =	sadd.s32 s1, s30  }
0xbc: {  	s0 =	sor.u32 s3, s0;
	s1 =	sshll.u32 s1, $0x11  }
0xbd: {  	s0 =	sor.u32 s1, s0  }
0xbe: {  	s0 =	sadd.s32 $0x8F2B, s0  }
0xbf: {  	[sflag:s0] =	ssyncadd.remote.s32 $0x1  }
0xc0: {  	_ =	sfence.sel $0xFFFF  }
0xc1: {  	[dreg:$0x0] =	wrdreg $0xFFFFFFFF;
	(pc) =	sbr.abs _section_cstart, $3  }
0xc2: {  	[dreg:$0x1] =	wrdreg $0xFFFFFFFF  }
0xc3: {  	_ =	task.clear_ibuf [dreg:s8], $0x2FFFF;
	_ =	strace $0x9FFFFFFF  }
0xc4: {  	(tm) =	ssettm $0x7FFFFFFF  }
0xc5: {  	_ =	shalt  }
tec
execute0_lowered:
.L_overlay_start_1:
0x0: {  	(tag) =	ssettag $0x1  }
0x1: {  	s1 =	rddreg [dreg:$0x0]  }
0x2: {  	s2 =	rddreg [dreg:$0x1]  }
0x3: {  	s3 =	srdreg.scid;
	s10 =	stileid.u32  }
0x4: {  	s0 =	rddreg [dreg:$0x2];
	s9 =	smul.u32 $0x190000, s10  }
0x5: {  	s29 =	simm.s32 $0x5;
	s4 =	sand.u32 $0x1, s3;
	s18 =	smul.u32 $0x32000, s10  }
0x6: {  	s31 =	simm.s32 $0x12;
	s5 =	sshll.u32 s10, $0x1;
	s16 =	smul.u32 $0xC8000, s4  }
0x7: {  	s5 =	sor.u32 s4, s5;
	s7 =	ssub.s32 $0x2, s4;
	s4 =	smul.u32 $0x19000, s4  }
0x8: {  	s28 =	simm.s32 $0xC;
	s3 =	simm.s32 $0x0;
	s6 =	smul.u32 $0x1900, s5  }
0x9: {  	s30 =	simm.s32 $0x19;
	[smem:$0x7FF] =	sst s3;
	s5 =	smul.u32 $0xC8000, s5  }
0xa: {  	_ =	strace $0x80000047;
	s8 =	sshrl.u32 s7, $0x1;
	s6 =	sshrl.u32 s6, $0x3  }
0xb: {  	s17 =	sshrl.u32 s5, $0x3;
	s5 =	sadd.s32 s18, s0;
	s1 =	sadd.s32 s6, s1  }
0xc: {  	s6 =	ssub.s32 s7, s8;
	s7 =	sadd.s32 s16, s9;
	s4 =	sadd.s32 s4, s5  }
0xd: {  	s1 =	sadd.s32 $0x400, s1;
	s20 =	sadd.s32 $0x1A000, s7;
	s22 =	sadd.s32 $0x18000, s7  }
0xe: {  	[dreg:$0x4] =	wrdreg s4;
	s26 =	sadd.s32 $0x16000, s7;
	s9 =	sadd.s32 $0x14000, s7  }
0xf: {  	s10 =	sadd.s32 $0x12000, s7;
	s14 =	sadd.s32 $0x10000, s7;
	s16 =	sadd.s32 $0xE000, s7  }
0x10: {  	[dreg:$0x10] =	wrdreg s1;
	s1 =	sadd.s32 s0, s17;
	s21 =	sshrl.u32 s20, $0x3  }
0x11: {  	s24 =	sshrl.u32 s22, $0x3;
	s8 =	sshrl.u32 s26, $0x3;
	s5 =	sshrl.u32 s9, $0x3  }
0x12: {  	s12 =	sshrl.u32 s10, $0x3;
	s15 =	sshrl.u32 s14, $0x3;
	s17 =	sadd.s32 $0xC000, s7  }
0x13: {  	s26 =	smax.u32 s6, $0x1;
	s9 =	simm.s32 $0x40;
	s6 =	simm.s32 $0x7  }
0x14: {  	s10 =	simm.s32 $0x1A;
	s19 =	sadd.s32 $0x18800, s1;
	[dreg:$0x13] =	wrdreg s26  }
0x15: {  	s23 =	sadd.s32 s21, s0;
	s25 =	sadd.s32 s24, s0;
	[dreg:$0x11] =	wrdreg s19  }
0x16: {  	s4 =	sadd.s32 s8, s0;
	s11 =	sadd.s32 s5, s0;
	[dreg:$0x5] =	wrdreg s23  }
0x17: {  	s13 =	sadd.s32 s12, s0;
	s5 =	sshrl.u32 s16, $0x3;
	[dreg:$0x6] =	wrdreg s25  }
0x18: {  	s21 =	sadd.s32 $0xA000, s7;
	s1 =	sadd.s32 $0x18C00, s1;
	[dreg:$0x7] =	wrdreg s4  }
0x19: {  	s8 =	simm.s32 $0x8;
	s12 =	simm.s32 $0x0;
	[dreg:$0x8] =	wrdreg s11  }
0x1a: {  	[dreg:$0x9] =	wrdreg s13;
	s4 =	sadd.s32 s15, s0;
	s18 =	sadd.s32 s5, s0  }
0x1b: {  	s19 =	sshrl.u32 s17, $0x3;
	s22 =	sshrl.u32 s21, $0x3;
	s23 =	sadd.s32 $0x8000, s7  }
0x1c: {  	s7 =	sor.u32 $0x6000, s7;
	[dreg:$0x12] =	wrdreg s1;
	s13 =	simm.s32 $0x15  }
0x1d: {  	s15 =	simm.s32 $0x9;
	s17 =	simm.s32 $0x16;
	s21 =	simm.s32 $0x17  }
0x1e: {  	s1 =	simm.s32 $0xD;
	s11 =	simm.s32 $0xE;
	[dreg:$0xa] =	wrdreg s4  }
0x1f: {  	[dreg:$0xb] =	wrdreg s18;
	s20 =	sadd.s32 s19, s0;
	s4 =	sadd.s32 s22, s0  }
0x20: {  	s5 =	sshrl.u32 s23, $0x3;
	s25 =	sshrl.u32 s7, $0x3;
	s7 =	simm.s32 $0x14  }
0x21: {  	s19 =	simm.s32 $0xA;
	s23 =	simm.s32 $0xB;
	[dreg:$0xc] =	wrdreg s20  }
0x22: {  	[dreg:$0xd] =	wrdreg s4;
	s24 =	sadd.s32 s5, s0;
	s0 =	sadd.s32 s25, s0  }
0x23: {  	s4 =	simm.s32 $0x6;
	s5 =	simm.s32 $0x13;
	[dreg:$0xe] =	wrdreg s24  }
0x24: {  	s25 =	simm.s32 $0x18;
	[dreg:$0xf] =	wrdreg s0;
	s24 =	simm.s32 $0x1B900  }
.LBB2_1:
0x25: {  	[dreg:$0x14] =	wrdreg s12  }
0x26: {  	s0 =	rddreg [dreg:$0x10];
	s22 =	simm.s32 $0x1D  }
0x27: {  	[tilespmem:s3], [sflag:$0x1D] =	stream.linear.gather [hbm4b:s0+s3], $0x1900, $0x38;
	[tilespmem:$0x1D900] =	vst v63  }
0x28: {  	_ =	swait.ge [sflag:s22], $0x1900  }
0x29: {  	[sflag:s22] =	ssyncset.done $0x0  }
0x2a: {  	s16 =	simm.s32 $0x1900;
	[sflag:s22] =	ssyncadd.s32 $0xFFFFE700  }
0x2b: {  	[tilespmem:s16], [sflag:$0x1] =	stream.indirect.gather [hbm4b:s2+s9], $0x80, s3, s9, $0xb8;
	[tilespmem:$0x1D900] =	vst v63  }
0x2c: {  	s18 =	simm.s32 $0x3900  }
0x2d: {  	[tilespmem:s18], [sflag:$0x2] =	stream.indirect.gather [hbm4b:s2+s9], $0x80, s9, s9, $0xb8;
	[tilespmem:$0x1D900] =	vst v63  }
0x2e: {  	s26 =	simm.s32 $0x80;
	s20 =	simm.s32 $0x5900  }
0x2f: {  	[tilespmem:s20], [sflag:$0x3] =	stream.indirect.gather [hbm4b:s2+s9], $0x80, s26, s9, $0xb8;
	[tilespmem:$0x1D900] =	vst v63  }
0x30: {  	s12 =	simm.s32 $0xC0;
	s22 =	simm.s32 $0x7900  }
0x31: {  	[tilespmem:s22], [sflag:$0x4] =	stream.indirect.gather [hbm4b:s2+s9], $0x80, s12, s9, $0xb8;
	[tilespmem:$0x1D900] =	vst v63  }
0x32: {  	s14 =	simm.s32 $0x100;
	s26 =	simm.s32 $0x9900  }
0x33: {  	[tilespmem:s26], [sflag:$0x5] =	stream.indirect.gather [hbm4b:s2+s9], $0x80, s14, s9, $0xb8;
	[tilespmem:$0x1D900] =	vst v63  }
0x34: {  	s12 =	simm.s32 $0x140;
	s14 =	simm.s32 $0xB900  }
0x35: {  	[tilespmem:s14], [sflag:$0x6] =	stream.indirect.gather [hbm4b:s2+s9], $0x80, s12, s9, $0xb8;
	[tilespmem:$0x1D900] =	vst v63  }
0x36: {  	s12 =	simm.s32 $0x180;
	s14 =	simm.s32 $0xD900  }
0x37: {  	[tilespmem:s14], [sflag:$0x7] =	stream.indirect.gather [hbm4b:s2+s9], $0x80, s12, s9, $0xb8;
	[tilespmem:$0x1D900] =	vst v63  }
0x38: {  	s12 =	simm.s32 $0x1C0;
	s14 =	simm.s32 $0xF900  }
0x39: {  	[tilespmem:s14], [sflag:$0x8] =	stream.indirect.gather [hbm4b:s2+s9], $0x80, s12, s9, $0xb8;
	[tilespmem:$0x1D900] =	vst v63  }
0x3a: {  	s12 =	simm.s32 $0x200;
	s14 =	simm.s32 $0x11900  }
0x3b: {  	[tilespmem:s14], [sflag:$0x9] =	stream.indirect.gather [hbm4b:s2+s9], $0x80, s12, s9, $0xb8;
	[tilespmem:$0x1D900] =	vst v63  }
0x3c: {  	p0 =	por $0x1, $0x1;
	s12 =	simm.s32 $0x240;
	s14 =	simm.s32 $0x13900  }
0x3d: {  	[tilespmem:s14], [sflag:$0xA] =	stream.indirect.gather [hbm4b:s2+s9], $0x80, s12, s9, $0xb8;
	[tilespmem:$0x1D900] =	vst v63  }
0x3e: {  	p0 =	por p0, p0;
	s12 =	simm.s32 $0x280;
	s14 =	simm.s32 $0x15900  }
0x3f: {  	[tilespmem:s14], [sflag:$0xB] =	stream.indirect.gather [hbm4b:s2+s9], $0x80, s12, s9, $0xb8;
	[tilespmem:$0x1D900] =	vst v63  }
0x40: {  	s0 =	simm.s32 @!p0 $0x1B;
	s12 =	simm.s32 $0x2C0;
	s14 =	simm.s32 $0x17900  }
0x41: {  	[tilespmem:s14], [sflag:$0xC] =	stream.indirect.gather [hbm4b:s2+s9], $0x80, s12, s9, $0xb8;
	[tilespmem:$0x1D900] =	vst v63  }
0x42: {  	_ =	swait.ge @!p0 [sflag:s0], $0x2000  }
0x43: {  	s12 =	simm.s32 $0x300;
	[sflag:s0] =	ssyncset.done @!p0 $0x0  }
0x44: {  	s14 =	simm.s32 $0x19900;
	[sflag:s0] =	ssyncadd.s32 @!p0 $0xFFFFE000;
	s0 =	simm.s32 $0x1  }
0x45: {  	[tilespmem:s14], [sflag:$0xD] =	stream.indirect.gather [hbm4b:s2+s9], $0x80, s12, s9, $0xb8;
	[tilespmem:$0x1D900] =	vst v63  }
0x46: {  	_ =	swait.ge [sflag:s0], $0x2000  }
0x47: {  	s14 =	rddreg [dreg:$0x4];
	[sflag:s0] =	ssyncset.done $0x0  }
0x48: {  	s12 =	simm.s32 @!p0 $0x1C;
	[sflag:s0] =	ssyncadd.s32 $0xFFFFE000;
	s0 =	sadd.s32 $0x0, s14  }
0x49: {  	[hbm4b:s0+s3] =	stream.linear.scatter [tilespmem:s16], [sflag:$0xF], $0x2000, $0x38;
	[tilespmem:$0x1D900] =	vst v63  }
0x4a: {  	_ =	swait.ge @!p0 [sflag:s12], $0x2000  }
0x4b: {  	[sflag:s12] =	ssyncset.done @!p0 $0x0  }
0x4c: {  	s14 =	simm.s32 $0x340;
	[sflag:s12] =	ssyncadd.s32 @!p0 $0xFFFFE000  }
0x4d: {  	[tilespmem:s24], [sflag:$0xE] =	stream.indirect.gather [hbm4b:s2+s9], $0x80, s14, s9, $0xb8;
	[tilespmem:$0x1D900] =	vst v63  }
0x4e: {  	s24 =	simm.s32 $0x2  }
0x4f: {  	_ =	swait.ge [sflag:s24], $0x2000  }
0x50: {  	[sflag:s24] =	ssyncset.done $0x0  }
0x51: {  	s14 =	sadd.s32 $0x400, s0;
	[sflag:s24] =	ssyncadd.s32 $0xFFFFE000;
	s24 =	simm.s32 $0xF  }
0x52: {  	[hbm4b:s14+s3] =	stream.linear.scatter [tilespmem:s18], [sflag:$0x10], $0x2000, $0x38;
	[tilespmem:$0x1D900] =	vst v63  }
0x53: {  	_ =	swait.ge [sflag:s24], $0x2000  }
0x54: {  	[sflag:s24] =	ssyncset.done $0x0  }
0x55: {  	s14 =	simm.s32 $0x380;
	[sflag:s24] =	ssyncadd.s32 $0xFFFFE000  }
0x56: {  	[tilespmem:s16], [sflag:$0x1] =	stream.indirect.gather [hbm4b:s2+s9], $0x80, s14, s9, $0xb8;
	[tilespmem:$0x1D900] =	vst v63  }
0x57: {  	s16 =	simm.s32 $0x3  }
0x58: {  	_ =	swait.ge [sflag:s16], $0x2000  }
0x59: {  	[sflag:s16] =	ssyncset.done $0x0  }
0x5a: {  	s0 =	sadd.s32 $0x800, s0;
	[sflag:s16] =	ssyncadd.s32 $0xFFFFE000  }
0x5b: {  	[hbm4b:s0+s3] =	stream.linear.scatter [tilespmem:s20], [sflag:$0x11], $0x2000, $0x38;
	[tilespmem:$0x1D900] =	vst v63  }
0x5c: {  	s20 =	simm.s32 $0x10  }
0x5d: {  	_ =	swait.ge [sflag:s20], $0x2000  }
0x5e: {  	[sflag:s20] =	ssyncset.done $0x0  }
0x5f: {  	s24 =	simm.s32 $0x3C0;
	s0 =	simm.s32 $0x4;
	[sflag:s20] =	ssyncadd.s32 $0xFFFFE000  }
0x60: {  	[tilespmem:s18], [sflag:$0x2] =	stream.indirect.gather [hbm4b:s2+s9], $0x80, s24, s9, $0xb8;
	[tilespmem:$0x1D900] =	vst v63  }
0x61: {  	_ =	swait.ge [sflag:s0], $0x2000  }
0x62: {  	s14 =	rddreg [dreg:$0xf];
	[sflag:s0] =	ssyncset.done $0x0  }
0x63: {  	s16 =	simm.s32 $0x11;
	[sflag:s0] =	ssyncadd.s32 $0xFFFFE000;
	s0 =	sadd.s32 $0x0, s14  }
0x64: {  	[hbm4b:s0+s3] =	stream.linear.scatter [tilespmem:s22], [sflag:$0x12], $0x2000, $0x38;
	[tilespmem:$0x1D900] =	vst v63  }
0x65: {  	p0 =	por $0x0, $0x0;
	_ =	swait.ge [sflag:s16], $0x2000  }
0x66: {  	s12 =	simm.s32 @!p0 $0x400;
	[sflag:s16] =	ssyncset.done $0x0  }
0x67: {  	s14 =	simm.s32 @!p0 $0x5900;
	s0 =	simm.s32 @!p0 $0x40;
	[sflag:s16] =	ssyncadd.s32 $0xFFFFE000  }
0x68: {  	[tilespmem:s14], [sflag:$0x3] =	stream.indirect.gather @!p0 [hbm4b:s2+s0], $0x80, s12, s0, $0xb8;
	[tilespmem:$0x1D900] =	vst v63  }
0x69: {  	_ =	swait.ge [sflag:s29], $0x2000  }
0x6a: {  	s18 =	rddreg [dreg:$0xe];
	[sflag:s29] =	ssyncset.done $0x0  }
0x6b: {  	[sflag:s29] =	ssyncadd.s32 $0xFFFFE000;
	s12 =	sadd.s32 $0x0, s18  }
0x6c: {  	[hbm4b:s12+s3] =	stream.linear.scatter [tilespmem:s26], [sflag:$0x13], $0x2000, $0x38;
	[tilespmem:$0x1D900] =	vst v63  }
0x6d: {  	_ =	swait.ge [sflag:s31], $0x2000  }
0x6e: {  	[sflag:s31] =	ssyncset.done $0x0  }
0x6f: {  	s14 =	simm.s32 @!p0 $0x7900;
	s12 =	simm.s32 @!p0 $0x440;
	[sflag:s31] =	ssyncadd.s32 $0xFFFFE000  }
0x70: {  	[tilespmem:s14], [sflag:$0x4] =	stream.indirect.gather @!p0 [hbm4b:s2+s0], $0x80, s12, s0, $0xb8;
	[tilespmem:$0x1D900] =	vst v63  }
0x71: {  	_ =	swait.ge [sflag:s4], $0x2000  }
0x72: {  	s20 =	rddreg [dreg:$0xd];
	[sflag:s4] =	ssyncset.done $0x0  }
0x73: {  	s22 =	simm.s32 $0xB900;
	[sflag:s4] =	ssyncadd.s32 $0xFFFFE000;
	s12 =	sadd.s32 $0x0, s20  }
0x74: {  	[hbm4b:s12+s3] =	stream.linear.scatter [tilespmem:s22], [sflag:$0x14], $0x2000, $0x38;
	[tilespmem:$0x1D900] =	vst v63  }
0x75: {  	_ =	swait.ge [sflag:s5], $0x2000  }
0x76: {  	[sflag:s5] =	ssyncset.done $0x0  }
0x77: {  	s14 =	simm.s32 @!p0 $0x9900;
	s12 =	simm.s32 @!p0 $0x480;
	[sflag:s5] =	ssyncadd.s32 $0xFFFFE000  }
0x78: {  	[tilespmem:s14], [sflag:$0x5] =	stream.indirect.gather @!p0 [hbm4b:s2+s0], $0x80, s12, s0, $0xb8;
	[tilespmem:$0x1D900] =	vst v63  }
0x79: {  	_ =	swait.ge [sflag:s6], $0x2000  }
0x7a: {  	s24 =	rddreg [dreg:$0xc];
	[sflag:s6] =	ssyncset.done $0x0  }
0x7b: {  	s26 =	simm.s32 $0xD900;
	[sflag:s6] =	ssyncadd.s32 $0xFFFFE000;
	s12 =	sadd.s32 $0x0, s24  }
0x7c: {  	[hbm4b:s12+s3] =	stream.linear.scatter [tilespmem:s26], [sflag:$0x15], $0x2000, $0x38;
	[tilespmem:$0x1D900] =	vst v63  }
0x7d: {  	_ =	swait.ge [sflag:s7], $0x2000  }
0x7e: {  	[sflag:s7] =	ssyncset.done $0x0  }
0x7f: {  	s14 =	simm.s32 @!p0 $0xB900;
	s12 =	simm.s32 @!p0 $0x4C0;
	[sflag:s7] =	ssyncadd.s32 $0xFFFFE000  }
0x80: {  	[tilespmem:s14], [sflag:$0x6] =	stream.indirect.gather @!p0 [hbm4b:s2+s0], $0x80, s12, s0, $0xb8;
	[tilespmem:$0x1D900] =	vst v63  }
0x81: {  	_ =	swait.ge [sflag:s8], $0x2000  }
0x82: {  	s16 =	rddreg [dreg:$0xb];
	[sflag:s8] =	ssyncset.done $0x0  }
0x83: {  	s18 =	simm.s32 $0xF900;
	[sflag:s8] =	ssyncadd.s32 $0xFFFFE000;
	s12 =	sadd.s32 $0x0, s16  }
0x84: {  	[hbm4b:s12+s3] =	stream.linear.scatter [tilespmem:s18], [sflag:$0x16], $0x2000, $0x38;
	[tilespmem:$0x1D900] =	vst v63  }
0x85: {  	_ =	swait.ge [sflag:s13], $0x2000  }
0x86: {  	[sflag:s13] =	ssyncset.done $0x0  }
0x87: {  	s14 =	simm.s32 @!p0 $0xD900;
	s12 =	simm.s32 @!p0 $0x500;
	[sflag:s13] =	ssyncadd.s32 $0xFFFFE000  }
0x88: {  	[tilespmem:s14], [sflag:$0x7] =	stream.indirect.gather @!p0 [hbm4b:s2+s0], $0x80, s12, s0, $0xb8;
	[tilespmem:$0x1D900] =	vst v63  }
0x89: {  	_ =	swait.ge [sflag:s15], $0x2000  }
0x8a: {  	s20 =	rddreg [dreg:$0xa];
	[sflag:s15] =	ssyncset.done $0x0  }
0x8b: {  	s22 =	simm.s32 $0x11900;
	[sflag:s15] =	ssyncadd.s32 $0xFFFFE000;
	s12 =	sadd.s32 $0x0, s20  }
0x8c: {  	[hbm4b:s12+s3] =	stream.linear.scatter [tilespmem:s22], [sflag:$0x17], $0x2000, $0x38;
	[tilespmem:$0x1D900] =	vst v63  }
0x8d: {  	_ =	swait.ge [sflag:s17], $0x2000  }
0x8e: {  	[sflag:s17] =	ssyncset.done $0x0  }
0x8f: {  	s14 =	simm.s32 @!p0 $0xF900;
	s12 =	simm.s32 @!p0 $0x540;
	[sflag:s17] =	ssyncadd.s32 $0xFFFFE000  }
0x90: {  	[tilespmem:s14], [sflag:$0x8] =	stream.indirect.gather @!p0 [hbm4b:s2+s0], $0x80, s12, s0, $0xb8;
	[tilespmem:$0x1D900] =	vst v63  }
0x91: {  	_ =	swait.ge [sflag:s19], $0x2000  }
0x92: {  	s24 =	rddreg [dreg:$0x9];
	[sflag:s19] =	ssyncset.done $0x0  }
0x93: {  	s26 =	simm.s32 $0x13900;
	[sflag:s19] =	ssyncadd.s32 $0xFFFFE000;
	s12 =	sadd.s32 $0x0, s24  }
0x94: {  	[hbm4b:s12+s3] =	stream.linear.scatter [tilespmem:s26], [sflag:$0x18], $0x2000, $0x38;
	[tilespmem:$0x1D900] =	vst v63  }
0x95: {  	_ =	swait.ge [sflag:s21], $0x2000  }
0x96: {  	[sflag:s21] =	ssyncset.done $0x0  }
0x97: {  	s14 =	simm.s32 @!p0 $0x11900;
	s12 =	simm.s32 @!p0 $0x580;
	[sflag:s21] =	ssyncadd.s32 $0xFFFFE000  }
0x98: {  	[tilespmem:s14], [sflag:$0x9] =	stream.indirect.gather @!p0 [hbm4b:s2+s0], $0x80, s12, s0, $0xb8;
	[tilespmem:$0x1D900] =	vst v63  }
0x99: {  	_ =	swait.ge [sflag:s23], $0x2000  }
0x9a: {  	s16 =	rddreg [dreg:$0x8];
	[sflag:s23] =	ssyncset.done $0x0  }
0x9b: {  	s18 =	simm.s32 $0x15900;
	[sflag:s23] =	ssyncadd.s32 $0xFFFFE000;
	s12 =	sadd.s32 $0x0, s16  }
0x9c: {  	[hbm4b:s12+s3] =	stream.linear.scatter [tilespmem:s18], [sflag:$0x19], $0x2000, $0x38;
	[tilespmem:$0x1D900] =	vst v63  }
0x9d: {  	_ =	swait.ge [sflag:s25], $0x2000  }
0x9e: {  	[sflag:s25] =	ssyncset.done $0x0  }
0x9f: {  	s14 =	simm.s32 @!p0 $0x13900;
	s12 =	simm.s32 @!p0 $0x5C0;
	[sflag:s25] =	ssyncadd.s32 $0xFFFFE000  }
0xa0: {  	[tilespmem:s14], [sflag:$0xA] =	stream.indirect.gather @!p0 [hbm4b:s2+s0], $0x80, s12, s0, $0xb8;
	[tilespmem:$0x1D900] =	vst v63  }
0xa1: {  	_ =	swait.ge [sflag:s28], $0x2000  }
0xa2: {  	s20 =	rddreg [dreg:$0x7];
	[sflag:s28] =	ssyncset.done $0x0  }
0xa3: {  	s22 =	simm.s32 $0x17900;
	[sflag:s28] =	ssyncadd.s32 $0xFFFFE000;
	s12 =	sadd.s32 $0x0, s20  }
0xa4: {  	[hbm4b:s12+s3] =	stream.linear.scatter [tilespmem:s22], [sflag:$0x1A], $0x2000, $0x38;
	[tilespmem:$0x1D900] =	vst v63  }
0xa5: {  	_ =	swait.ge [sflag:s30], $0x2000  }
0xa6: {  	[sflag:s30] =	ssyncset.done $0x0  }
0xa7: {  	s14 =	simm.s32 @!p0 $0x15900;
	s12 =	simm.s32 @!p0 $0x600;
	[sflag:s30] =	ssyncadd.s32 $0xFFFFE000  }
0xa8: {  	[tilespmem:s14], [sflag:$0xB] =	stream.indirect.gather @!p0 [hbm4b:s2+s0], $0x80, s12, s0, $0xb8;
	[tilespmem:$0x1D900] =	vst v63  }
0xa9: {  	_ =	swait.ge [sflag:s1], $0x2000  }
0xaa: {  	s24 =	rddreg [dreg:$0x6];
	[sflag:s1] =	ssyncset.done $0x0  }
0xab: {  	s26 =	simm.s32 $0x19900;
	[sflag:s1] =	ssyncadd.s32 $0xFFFFE000;
	s12 =	sadd.s32 $0x0, s24  }
0xac: {  	[hbm4b:s12+s3] =	stream.linear.scatter [tilespmem:s26], [sflag:$0x1B], $0x2000, $0x38;
	[tilespmem:$0x1D900] =	vst v63  }
0xad: {  	_ =	swait.ge [sflag:s10], $0x2000  }
0xae: {  	p6 =	por $0x0, $0x0;
	s16 =	simm.s32 $0x0;
	[sflag:s10] =	ssyncset.done $0x0  }
0xaf: {  	s14 =	simm.s32 @!p0 $0x17900;
	s12 =	simm.s32 @!p0 $0x640;
	[sflag:s10] =	ssyncadd.s32 $0xFFFFE000  }
0xb0: {  	[tilespmem:s14], [sflag:$0xC] =	stream.indirect.gather @!p0 [hbm4b:s2+s0], $0x80, s12, s0, $0xb8;
	[tilespmem:$0x1D900] =	vst v63  }
0xb1: {  	s0 =	simm.s32 $0x3800;
	s12 =	simm.s32 $0x7000;
	_ =	swait.ge [sflag:s11], $0x2000  }
0xb2: {  	p0 =	por p6, p6;
	s14 =	simm.s32 $0x6C0;
	[sflag:s11] =	ssyncset.done $0x0  }
0xb3: {  	s18 =	simm.s32 @!p0 $0x1B;
	s20 =	rddreg [dreg:$0x5];
	[sflag:s11] =	ssyncadd.s32 $0xFFFFE000  }
.LBB2_2:
0xb4: {  	s20 =	sadd.s32 s16, s20;
	s24 =	simm.s32 $0x1B900  }
0xb5: {  	[hbm4b:s20+s3] =	stream.linear.scatter [tilespmem:s24], [sflag:$0x1C], $0x2000, $0x38;
	[tilespmem:$0x1D900] =	vst v63  }
0xb6: {  	_ =	swait.ge @!p0 [sflag:s18], $0x2000  }
0xb7: {  	s22 =	sadd.s32 $0xFFFFFFC0, s14;
	[sflag:s18] =	ssyncset.done @!p0 $0x0  }
0xb8: {  	s26 =	simm.s32 $0x19900;
	[sflag:s18] =	ssyncadd.s32 @!p0 $0xFFFFE000;
	s18 =	simm.s32 $0x1  }
0xb9: {  	[tilespmem:s26], [sflag:$0xD] =	stream.indirect.gather [hbm4b:s2+s9], $0x80, s22, s9, $0xb8;
	[tilespmem:$0x1D900] =	vst v63  }
0xba: {  	s16 =	smov.u32 s0;
	_ =	swait.ge [sflag:s18], $0x2000  }
0xbb: {  	s20 =	simm.s32 @!p0 $0x1C;
	s22 =	rddreg [dreg:$0x4];
	[sflag:s18] =	ssyncset.done $0x0  }
0xbc: {  	[sflag:s18] =	ssyncadd.s32 $0xFFFFE000;
	s18 =	sadd.s32 s16, s22;
	s22 =	simm.s32 $0x1900  }
0xbd: {  	[hbm4b:s18+s3] =	stream.linear.scatter [tilespmem:s22], [sflag:$0xF], $0x2000, $0x38;
	[tilespmem:$0x1D900] =	vst v63  }
0xbe: {  	_ =	swait.ge @!p0 [sflag:s20], $0x2000  }
0xbf: {  	[sflag:s20] =	ssyncset.done @!p0 $0x0  }
0xc0: {  	[sflag:s20] =	ssyncadd.s32 @!p0 $0xFFFFE000  }
0xc1: {  	[tilespmem:s24], [sflag:$0xE] =	stream.indirect.gather [hbm4b:s2+s9], $0x80, s14, s9, $0xb8;
	[tilespmem:$0x1D900] =	vst v63  }
0xc2: {  	s24 =	simm.s32 $0x2  }
0xc3: {  	_ =	swait.ge [sflag:s24], $0x2000  }
0xc4: {  	[sflag:s24] =	ssyncset.done $0x0  }
0xc5: {  	s20 =	sadd.s32 $0x400, s18;
	[sflag:s24] =	ssyncadd.s32 $0xFFFFE000;
	s24 =	simm.s32 $0x3900  }
0xc6: {  	[hbm4b:s20+s3] =	stream.linear.scatter [tilespmem:s24], [sflag:$0x10], $0x2000, $0x38;
	[tilespmem:$0x1D900] =	vst v63  }
0xc7: {  	s20 =	simm.s32 $0xF  }
0xc8: {  	_ =	swait.ge [sflag:s20], $0x2000  }
0xc9: {  	[sflag:s20] =	ssyncset.done $0x0  }
0xca: {  	[sflag:s20] =	ssyncadd.s32 $0xFFFFE000;
	s20 =	sadd.s32 $0x40, s14  }
0xcb: {  	[tilespmem:s22], [sflag:$0x1] =	stream.indirect.gather [hbm4b:s2+s9], $0x80, s20, s9, $0xb8;
	[tilespmem:$0x1D900] =	vst v63  }
0xcc: {  	s22 =	simm.s32 $0x3  }
0xcd: {  	_ =	swait.ge [sflag:s22], $0x2000  }
0xce: {  	s18 =	sadd.s32 $0x800, s18;
	[sflag:s22] =	ssyncset.done $0x0  }
0xcf: {  	s20 =	simm.s32 $0x10;
	[sflag:s22] =	ssyncadd.s32 $0xFFFFE000;
	s22 =	simm.s32 $0x5900  }
0xd0: {  	[hbm4b:s18+s3] =	stream.linear.scatter [tilespmem:s22], [sflag:$0x11], $0x2000, $0x38;
	[tilespmem:$0x1D900] =	vst v63  }
0xd1: {  	_ =	swait.ge [sflag:s20], $0x2000  }
0xd2: {  	[sflag:s20] =	ssyncset.done $0x0  }
0xd3: {  	s22 =	sadd.s32 $0x80, s14;
	s18 =	simm.s32 $0x4;
	[sflag:s20] =	ssyncadd.s32 $0xFFFFE000  }
0xd4: {  	[tilespmem:s24], [sflag:$0x2] =	stream.indirect.gather [hbm4b:s2+s9], $0x80, s22, s9, $0xb8;
	[tilespmem:$0x1D900] =	vst v63  }
0xd5: {  	p2 =	seq.s32 s12, $0x0;
	_ =	swait.ge [sflag:s18], $0x2000  }
0xd6: {  	s20 =	simm.s32 $0x11;
	s22 =	rddreg [dreg:$0xf];
	[sflag:s18] =	ssyncset.done $0x0  }
0xd7: {  	s24 =	simm.s32 $0x7900;
	[sflag:s18] =	ssyncadd.s32 $0xFFFFE000;
	s18 =	sadd.s32 s16, s22  }
0xd8: {  	[hbm4b:s18+s3] =	stream.linear.scatter [tilespmem:s24], [sflag:$0x12], $0x2000, $0x38;
	[tilespmem:$0x1D900] =	vst v63  }
0xd9: {  	p0 =	por p2, p2;
	p2 =	seq.s32 s16, $0x15000;
	_ =	swait.ge [sflag:s20], $0x2000  }
0xda: {  	s22 =	simm.s32 @!p2 $0x5900;
	[sflag:s20] =	ssyncset.done $0x0  }
0xdb: {  	s18 =	simm.s32 @!p2 $0x40;
	[sflag:s20] =	ssyncadd.s32 $0xFFFFE000;
	s20 =	sadd.s32 @!p2 $0xC0, s14  }
0xdc: {  	[tilespmem:s22], [sflag:$0x3] =	stream.indirect.gather @!p2 [hbm4b:s2+s18], $0x80, s20, s18, $0xb8;
	[tilespmem:$0x1D900] =	vst v63  }
0xdd: {  	_ =	swait.ge [sflag:s29], $0x2000  }
0xde: {  	s22 =	rddreg [dreg:$0xe];
	[sflag:s29] =	ssyncset.done $0x0  }
0xdf: {  	s24 =	simm.s32 $0x9900;
	[sflag:s29] =	ssyncadd.s32 $0xFFFFE000;
	s20 =	sadd.s32 s16, s22  }
0xe0: {  	[hbm4b:s20+s3] =	stream.linear.scatter [tilespmem:s24], [sflag:$0x13], $0x2000, $0x38;
	[tilespmem:$0x1D900] =	vst v63  }
0xe1: {  	_ =	swait.ge [sflag:s31], $0x2000  }
0xe2: {  	[sflag:s31] =	ssyncset.done $0x0  }
0xe3: {  	s22 =	simm.s32 @!p2 $0x7900;
	s20 =	sadd.s32 @!p2 $0x100, s14;
	[sflag:s31] =	ssyncadd.s32 $0xFFFFE000  }
0xe4: {  	[tilespmem:s22], [sflag:$0x4] =	stream.indirect.gather @!p2 [hbm4b:s2+s18], $0x80, s20, s18, $0xb8;
	[tilespmem:$0x1D900] =	vst v63  }
0xe5: {  	_ =	swait.ge [sflag:s4], $0x2000  }
0xe6: {  	s22 =	rddreg [dreg:$0xd];
	[sflag:s4] =	ssyncset.done $0x0  }
0xe7: {  	s24 =	simm.s32 $0xB900;
	[sflag:s4] =	ssyncadd.s32 $0xFFFFE000;
	s20 =	sadd.s32 s16, s22  }
0xe8: {  	[hbm4b:s20+s3] =	stream.linear.scatter [tilespmem:s24], [sflag:$0x14], $0x2000, $0x38;
	[tilespmem:$0x1D900] =	vst v63  }
0xe9: {  	_ =	swait.ge [sflag:s5], $0x2000  }
0xea: {  	[sflag:s5] =	ssyncset.done $0x0  }
0xeb: {  	s22 =	simm.s32 @!p2 $0x9900;
	s20 =	sadd.s32 @!p2 $0x140, s14;
	[sflag:s5] =	ssyncadd.s32 $0xFFFFE000  }
0xec: {  	[tilespmem:s22], [sflag:$0x5] =	stream.indirect.gather @!p2 [hbm4b:s2+s18], $0x80, s20, s18, $0xb8;
	[tilespmem:$0x1D900] =	vst v63  }
0xed: {  	_ =	swait.ge [sflag:s6], $0x2000  }
0xee: {  	s22 =	rddreg [dreg:$0xc];
	[sflag:s6] =	ssyncset.done $0x0  }
0xef: {  	s24 =	simm.s32 $0xD900;
	[sflag:s6] =	ssyncadd.s32 $0xFFFFE000;
	s20 =	sadd.s32 s16, s22  }
0xf0: {  	[hbm4b:s20+s3] =	stream.linear.scatter [tilespmem:s24], [sflag:$0x15], $0x2000, $0x38;
	[tilespmem:$0x1D900] =	vst v63  }
0xf1: {  	_ =	swait.ge [sflag:s7], $0x2000  }
0xf2: {  	[sflag:s7] =	ssyncset.done $0x0  }
0xf3: {  	s22 =	simm.s32 @!p2 $0xB900;
	s20 =	sadd.s32 @!p2 $0x180, s14;
	[sflag:s7] =	ssyncadd.s32 $0xFFFFE000  }
0xf4: {  	[tilespmem:s22], [sflag:$0x6] =	stream.indirect.gather @!p2 [hbm4b:s2+s18], $0x80, s20, s18, $0xb8;
	[tilespmem:$0x1D900] =	vst v63  }
0xf5: {  	_ =	swait.ge [sflag:s8], $0x2000  }
0xf6: {  	s22 =	rddreg [dreg:$0xb];
	[sflag:s8] =	ssyncset.done $0x0  }
0xf7: {  	s24 =	simm.s32 $0xF900;
	[sflag:s8] =	ssyncadd.s32 $0xFFFFE000;
	s20 =	sadd.s32 s16, s22  }
0xf8: {  	[hbm4b:s20+s3] =	stream.linear.scatter [tilespmem:s24], [sflag:$0x16], $0x2000, $0x38;
	[tilespmem:$0x1D900] =	vst v63  }
0xf9: {  	_ =	swait.ge [sflag:s13], $0x2000  }
0xfa: {  	[sflag:s13] =	ssyncset.done $0x0  }
0xfb: {  	s22 =	simm.s32 @!p2 $0xD900;
	s20 =	sadd.s32 @!p2 $0x1C0, s14;
	[sflag:s13] =	ssyncadd.s32 $0xFFFFE000  }
0xfc: {  	[tilespmem:s22], [sflag:$0x7] =	stream.indirect.gather @!p2 [hbm4b:s2+s18], $0x80, s20, s18, $0xb8;
	[tilespmem:$0x1D900] =	vst v63  }
0xfd: {  	_ =	swait.ge [sflag:s15], $0x2000  }
0xfe: {  	s22 =	rddreg [dreg:$0xa];
	[sflag:s15] =	ssyncset.done $0x0  }
0xff: {  	s24 =	simm.s32 $0x11900;
	[sflag:s15] =	ssyncadd.s32 $0xFFFFE000;
	s20 =	sadd.s32 s16, s22  }
0x100: {  	[hbm4b:s20+s3] =	stream.linear.scatter [tilespmem:s24], [sflag:$0x17], $0x2000, $0x38;
	[tilespmem:$0x1D900] =	vst v63  }
0x101: {  	_ =	swait.ge [sflag:s17], $0x2000  }
0x102: {  	[sflag:s17] =	ssyncset.done $0x0  }
0x103: {  	s22 =	simm.s32 @!p2 $0xF900;
	s20 =	sadd.s32 @!p2 $0x200, s14;
	[sflag:s17] =	ssyncadd.s32 $0xFFFFE000  }
0x104: {  	[tilespmem:s22], [sflag:$0x8] =	stream.indirect.gather @!p2 [hbm4b:s2+s18], $0x80, s20, s18, $0xb8;
	[tilespmem:$0x1D900] =	vst v63  }
0x105: {  	_ =	swait.ge [sflag:s19], $0x2000  }
0x106: {  	s22 =	rddreg [dreg:$0x9];
	[sflag:s19] =	ssyncset.done $0x0  }
0x107: {  	s24 =	simm.s32 $0x13900;
	[sflag:s19] =	ssyncadd.s32 $0xFFFFE000;
	s20 =	sadd.s32 s16, s22  }
0x108: {  	[hbm4b:s20+s3] =	stream.linear.scatter [tilespmem:s24], [sflag:$0x18], $0x2000, $0x38;
	[tilespmem:$0x1D900] =	vst v63  }
0x109: {  	_ =	swait.ge [sflag:s21], $0x2000  }
0x10a: {  	[sflag:s21] =	ssyncset.done $0x0  }
0x10b: {  	s22 =	simm.s32 @!p2 $0x11900;
	s20 =	sadd.s32 @!p2 $0x240, s14;
	[sflag:s21] =	ssyncadd.s32 $0xFFFFE000  }
0x10c: {  	[tilespmem:s22], [sflag:$0x9] =	stream.indirect.gather @!p2 [hbm4b:s2+s18], $0x80, s20, s18, $0xb8;
	[tilespmem:$0x1D900] =	vst v63  }
0x10d: {  	_ =	swait.ge [sflag:s23], $0x2000  }
0x10e: {  	s22 =	rddreg [dreg:$0x8];
	[sflag:s23] =	ssyncset.done $0x0  }
0x10f: {  	s24 =	simm.s32 $0x15900;
	[sflag:s23] =	ssyncadd.s32 $0xFFFFE000;
	s20 =	sadd.s32 s16, s22  }
0x110: {  	[hbm4b:s20+s3] =	stream.linear.scatter [tilespmem:s24], [sflag:$0x19], $0x2000, $0x38;
	[tilespmem:$0x1D900] =	vst v63  }
0x111: {  	_ =	swait.ge [sflag:s25], $0x2000  }
0x112: {  	[sflag:s25] =	ssyncset.done $0x0  }
0x113: {  	s22 =	simm.s32 @!p2 $0x13900;
	s20 =	sadd.s32 @!p2 $0x280, s14;
	[sflag:s25] =	ssyncadd.s32 $0xFFFFE000  }
0x114: {  	[tilespmem:s22], [sflag:$0xA] =	stream.indirect.gather @!p2 [hbm4b:s2+s18], $0x80, s20, s18, $0xb8;
	[tilespmem:$0x1D900] =	vst v63  }
0x115: {  	_ =	swait.ge [sflag:s28], $0x2000  }
0x116: {  	s22 =	rddreg [dreg:$0x7];
	[sflag:s28] =	ssyncset.done $0x0  }
0x117: {  	s24 =	simm.s32 $0x17900;
	[sflag:s28] =	ssyncadd.s32 $0xFFFFE000;
	s20 =	sadd.s32 s16, s22  }
0x118: {  	[hbm4b:s20+s3] =	stream.linear.scatter [tilespmem:s24], [sflag:$0x1A], $0x2000, $0x38;
	[tilespmem:$0x1D900] =	vst v63  }
0x119: {  	_ =	swait.ge [sflag:s30], $0x2000  }
0x11a: {  	[sflag:s30] =	ssyncset.done $0x0  }
0x11b: {  	s22 =	simm.s32 @!p2 $0x15900;
	s20 =	sadd.s32 @!p2 $0x2C0, s14;
	[sflag:s30] =	ssyncadd.s32 $0xFFFFE000  }
0x11c: {  	[tilespmem:s22], [sflag:$0xB] =	stream.indirect.gather @!p2 [hbm4b:s2+s18], $0x80, s20, s18, $0xb8;
	[tilespmem:$0x1D900] =	vst v63  }
0x11d: {  	_ =	swait.ge [sflag:s1], $0x2000  }
0x11e: {  	s24 =	rddreg [dreg:$0x6];
	[sflag:s1] =	ssyncset.done $0x0  }
0x11f: {  	[sflag:s1] =	ssyncadd.s32 $0xFFFFE000;
	s20 =	sadd.s32 s16, s24  }
0x120: {  	[hbm4b:s20+s3] =	stream.linear.scatter [tilespmem:s26], [sflag:$0x1B], $0x2000, $0x38;
	[tilespmem:$0x1D900] =	vst v63  }
0x121: {  	s0 =	smov.u32 s12;
	s12 =	sadd.s32 $0x3800, s12;
	_ =	swait.ge [sflag:s10], $0x2000  }
0x122: {  	p1 =	sne.s32 s12, $0x18800;
	s22 =	simm.s32 @!p2 $0x17900;
	[sflag:s10] =	ssyncset.done $0x0  }
.Ltmp0:
0x123: {  	s20 =	sadd.s32 @!p2 $0x300, s14;
	[sflag:s10] =	ssyncadd.s32 $0xFFFFE000;
	(pc) =	sbr.rel @p1 .LBB2_2-.Ltmp0, $4  }
0x124: {  	[tilespmem:s22], [sflag:$0xC] =	stream.indirect.gather @!p2 [hbm4b:s2+s18], $0x80, s20, s18, $0xb8;
	[tilespmem:$0x1D900] =	vst v63  }
0x125: {  	_ =	swait.ge [sflag:s11], $0x2000  }
0x126: {  	s14 =	sadd.s32 $0x380, s14;
	[sflag:s11] =	ssyncset.done $0x0  }
0x127: {  	s18 =	simm.s32 @!p0 $0x1B;
	s20 =	rddreg [dreg:$0x5];
	[sflag:s11] =	ssyncadd.s32 $0xFFFFE000  }
0x128: {  	s12 =	sadd.s32 s16, s20;
	s26 =	simm.s32 $0x1B900  }
0x129: {  	[hbm4b:s12+s3] =	stream.linear.scatter [tilespmem:s26], [sflag:$0x1C], $0x2000, $0x38;
	[tilespmem:$0x1D900] =	vst v63  }
0x12a: {  	_ =	swait.ge @!p0 [sflag:s18], $0x2000  }
0x12b: {  	s16 =	sadd.s32 $0xFFFFFFC0, s14;
	[sflag:s18] =	ssyncset.done @!p0 $0x0  }
0x12c: {  	s22 =	simm.s32 $0x1;
	[sflag:s18] =	ssyncadd.s32 @!p0 $0xFFFFE000;
	s18 =	simm.s32 $0x19900  }
0x12d: {  	[tilespmem:s18], [sflag:$0xD] =	stream.indirect.gather [hbm4b:s2+s9], $0x80, s16, s9, $0xb8;
	[tilespmem:$0x1D900] =	vst v63  }
0x12e: {  	_ =	swait.ge [sflag:s22], $0x2000  }
0x12f: {  	s26 =	simm.s32 $0x1900;
	s24 =	rddreg [dreg:$0x4];
	[sflag:s22] =	ssyncset.done $0x0  }
0x130: {  	s16 =	simm.s32 @!p0 $0x1C;
	[sflag:s22] =	ssyncadd.s32 $0xFFFFE000;
	s12 =	sadd.s32 s0, s24  }
0x131: {  	[hbm4b:s12+s3] =	stream.linear.scatter [tilespmem:s26], [sflag:$0xF], $0x2000, $0x38;
	[tilespmem:$0x1D900] =	vst v63  }
0x132: {  	_ =	swait.ge @!p0 [sflag:s16], $0x2000  }
0x133: {  	[sflag:s16] =	ssyncset.done @!p0 $0x0  }
0x134: {  	s20 =	simm.s32 $0x1B900;
	s26 =	simm.s32 $0x2;
	[sflag:s16] =	ssyncadd.s32 @!p0 $0xFFFFE000  }
0x135: {  	[tilespmem:s20], [sflag:$0xE] =	stream.indirect.gather [hbm4b:s2+s9], $0x80, s14, s9, $0xb8;
	[tilespmem:$0x1D900] =	vst v63  }
0x136: {  	_ =	swait.ge [sflag:s26], $0x2000  }
0x137: {  	[sflag:s26] =	ssyncset.done $0x0  }
0x138: {  	s24 =	simm.s32 $0x3900;
	s22 =	sadd.s32 $0x400, s12;
	[sflag:s26] =	ssyncadd.s32 $0xFFFFE000  }
0x139: {  	[hbm4b:s22+s3] =	stream.linear.scatter [tilespmem:s24], [sflag:$0x10], $0x2000, $0x38;
	[tilespmem:$0x1D900] =	vst v63  }
0x13a: {  	s22 =	simm.s32 $0xF  }
0x13b: {  	_ =	swait.ge [sflag:s22], $0x2000  }
0x13c: {  	[sflag:s22] =	ssyncset.done $0x0  }
0x13d: {  	s18 =	simm.s32 $0x1900;
	s20 =	sadd.s32 $0x40, s14;
	[sflag:s22] =	ssyncadd.s32 $0xFFFFE000  }
0x13e: {  	[tilespmem:s18], [sflag:$0x1] =	stream.indirect.gather [hbm4b:s2+s9], $0x80, s20, s9, $0xb8;
	[tilespmem:$0x1D900] =	vst v63  }
0x13f: {  	s18 =	simm.s32 $0x3  }
0x140: {  	_ =	swait.ge [sflag:s18], $0x2000  }
0x141: {  	[sflag:s18] =	ssyncset.done $0x0  }
0x142: {  	s12 =	sadd.s32 $0x800, s12;
	s20 =	simm.s32 $0x5900;
	[sflag:s18] =	ssyncadd.s32 $0xFFFFE000  }
0x143: {  	[hbm4b:s12+s3] =	stream.linear.scatter [tilespmem:s20], [sflag:$0x11], $0x2000, $0x38;
	[tilespmem:$0x1D900] =	vst v63  }
0x144: {  	s20 =	simm.s32 $0x10  }
0x145: {  	_ =	swait.ge [sflag:s20], $0x2000  }
0x146: {  	s24 =	simm.s32 $0x3900;
	[sflag:s20] =	ssyncset.done $0x0  }
0x147: {  	s18 =	sadd.s32 $0x80, s14;
	s12 =	simm.s32 $0x4;
	[sflag:s20] =	ssyncadd.s32 $0xFFFFE000  }
0x148: {  	[tilespmem:s24], [sflag:$0x2] =	stream.indirect.gather [hbm4b:s2+s9], $0x80, s18, s9, $0xb8;
	[tilespmem:$0x1D900] =	vst v63  }
0x149: {  	_ =	swait.ge [sflag:s12], $0x2000  }
0x14a: {  	s16 =	simm.s32 $0x11;
	s18 =	rddreg [dreg:$0xf];
	[sflag:s12] =	ssyncset.done $0x0  }
0x14b: {  	s24 =	simm.s32 $0x7900;
	[sflag:s12] =	ssyncadd.s32 $0xFFFFE000;
	s12 =	sadd.s32 s0, s18  }
0x14c: {  	[hbm4b:s12+s3] =	stream.linear.scatter [tilespmem:s24], [sflag:$0x12], $0x2000, $0x38;
	[tilespmem:$0x1D900] =	vst v63  }
0x14d: {  	p0 =	seq.s32 s0, $0x15000;
	_ =	swait.ge [sflag:s16], $0x2000  }
0x14e: {  	s18 =	simm.s32 @!p0 $0x5900;
	[sflag:s16] =	ssyncset.done $0x0  }
0x14f: {  	s12 =	simm.s32 @!p0 $0x40;
	[sflag:s16] =	ssyncadd.s32 $0xFFFFE000;
	s16 =	sadd.s32 @!p0 $0xC0, s14  }
0x150: {  	[tilespmem:s18], [sflag:$0x3] =	stream.indirect.gather @!p0 [hbm4b:s2+s12], $0x80, s16, s12, $0xb8;
	[tilespmem:$0x1D900] =	vst v63  }
0x151: {  	_ =	swait.ge [sflag:s29], $0x2000  }
0x152: {  	s18 =	rddreg [dreg:$0xe];
	[sflag:s29] =	ssyncset.done $0x0  }
0x153: {  	s24 =	simm.s32 $0x9900;
	[sflag:s29] =	ssyncadd.s32 $0xFFFFE000;
	s16 =	sadd.s32 s0, s18  }
0x154: {  	[hbm4b:s16+s3] =	stream.linear.scatter [tilespmem:s24], [sflag:$0x13], $0x2000, $0x38;
	[tilespmem:$0x1D900] =	vst v63  }
0x155: {  	_ =	swait.ge [sflag:s31], $0x2000  }
0x156: {  	[sflag:s31] =	ssyncset.done $0x0  }
0x157: {  	s18 =	simm.s32 @!p0 $0x7900;
	s16 =	sadd.s32 @!p0 $0x100, s14;
	[sflag:s31] =	ssyncadd.s32 $0xFFFFE000  }
0x158: {  	[tilespmem:s18], [sflag:$0x4] =	stream.indirect.gather @!p0 [hbm4b:s2+s12], $0x80, s16, s12, $0xb8;
	[tilespmem:$0x1D900] =	vst v63  }
0x159: {  	_ =	swait.ge [sflag:s4], $0x2000  }
0x15a: {  	s18 =	rddreg [dreg:$0xd];
	[sflag:s4] =	ssyncset.done $0x0  }
0x15b: {  	s24 =	simm.s32 $0xB900;
	[sflag:s4] =	ssyncadd.s32 $0xFFFFE000;
	s16 =	sadd.s32 s0, s18  }
0x15c: {  	[hbm4b:s16+s3] =	stream.linear.scatter [tilespmem:s24], [sflag:$0x14], $0x2000, $0x38;
	[tilespmem:$0x1D900] =	vst v63  }
0x15d: {  	_ =	swait.ge [sflag:s5], $0x2000  }
0x15e: {  	[sflag:s5] =	ssyncset.done $0x0  }
0x15f: {  	s18 =	simm.s32 @!p0 $0x9900;
	s16 =	sadd.s32 @!p0 $0x140, s14;
	[sflag:s5] =	ssyncadd.s32 $0xFFFFE000  }
0x160: {  	[tilespmem:s18], [sflag:$0x5] =	stream.indirect.gather @!p0 [hbm4b:s2+s12], $0x80, s16, s12, $0xb8;
	[tilespmem:$0x1D900] =	vst v63  }
0x161: {  	_ =	swait.ge [sflag:s6], $0x2000  }
0x162: {  	s18 =	rddreg [dreg:$0xc];
	[sflag:s6] =	ssyncset.done $0x0  }
0x163: {  	s24 =	simm.s32 $0xD900;
	[sflag:s6] =	ssyncadd.s32 $0xFFFFE000;
	s16 =	sadd.s32 s0, s18  }
0x164: {  	[hbm4b:s16+s3] =	stream.linear.scatter [tilespmem:s24], [sflag:$0x15], $0x2000, $0x38;
	[tilespmem:$0x1D900] =	vst v63  }
0x165: {  	_ =	swait.ge [sflag:s7], $0x2000  }
0x166: {  	[sflag:s7] =	ssyncset.done $0x0  }
0x167: {  	s18 =	simm.s32 @!p0 $0xB900;
	s16 =	sadd.s32 @!p0 $0x180, s14;
	[sflag:s7] =	ssyncadd.s32 $0xFFFFE000  }
0x168: {  	[tilespmem:s18], [sflag:$0x6] =	stream.indirect.gather @!p0 [hbm4b:s2+s12], $0x80, s16, s12, $0xb8;
	[tilespmem:$0x1D900] =	vst v63  }
0x169: {  	_ =	swait.ge [sflag:s8], $0x2000  }
0x16a: {  	s18 =	rddreg [dreg:$0xb];
	[sflag:s8] =	ssyncset.done $0x0  }
0x16b: {  	s24 =	simm.s32 $0xF900;
	[sflag:s8] =	ssyncadd.s32 $0xFFFFE000;
	s16 =	sadd.s32 s0, s18  }
0x16c: {  	[hbm4b:s16+s3] =	stream.linear.scatter [tilespmem:s24], [sflag:$0x16], $0x2000, $0x38;
	[tilespmem:$0x1D900] =	vst v63  }
0x16d: {  	_ =	swait.ge [sflag:s13], $0x2000  }
0x16e: {  	[sflag:s13] =	ssyncset.done $0x0  }
0x16f: {  	s18 =	simm.s32 @!p0 $0xD900;
	s16 =	sadd.s32 @!p0 $0x1C0, s14;
	[sflag:s13] =	ssyncadd.s32 $0xFFFFE000  }
0x170: {  	[tilespmem:s18], [sflag:$0x7] =	stream.indirect.gather @!p0 [hbm4b:s2+s12], $0x80, s16, s12, $0xb8;
	[tilespmem:$0x1D900] =	vst v63  }
0x171: {  	_ =	swait.ge [sflag:s15], $0x2000  }
0x172: {  	s18 =	rddreg [dreg:$0xa];
	[sflag:s15] =	ssyncset.done $0x0  }
0x173: {  	s24 =	simm.s32 $0x11900;
	[sflag:s15] =	ssyncadd.s32 $0xFFFFE000;
	s16 =	sadd.s32 s0, s18  }
0x174: {  	[hbm4b:s16+s3] =	stream.linear.scatter [tilespmem:s24], [sflag:$0x17], $0x2000, $0x38;
	[tilespmem:$0x1D900] =	vst v63  }
0x175: {  	_ =	swait.ge [sflag:s17], $0x2000  }
0x176: {  	[sflag:s17] =	ssyncset.done $0x0  }
0x177: {  	s18 =	simm.s32 @!p0 $0xF900;
	s16 =	sadd.s32 @!p0 $0x200, s14;
	[sflag:s17] =	ssyncadd.s32 $0xFFFFE000  }
0x178: {  	[tilespmem:s18], [sflag:$0x8] =	stream.indirect.gather @!p0 [hbm4b:s2+s12], $0x80, s16, s12, $0xb8;
	[tilespmem:$0x1D900] =	vst v63  }
0x179: {  	_ =	swait.ge [sflag:s19], $0x2000  }
0x17a: {  	s18 =	rddreg [dreg:$0x9];
	[sflag:s19] =	ssyncset.done $0x0  }
0x17b: {  	s24 =	simm.s32 $0x13900;
	[sflag:s19] =	ssyncadd.s32 $0xFFFFE000;
	s16 =	sadd.s32 s0, s18  }
0x17c: {  	[hbm4b:s16+s3] =	stream.linear.scatter [tilespmem:s24], [sflag:$0x18], $0x2000, $0x38;
	[tilespmem:$0x1D900] =	vst v63  }
0x17d: {  	_ =	swait.ge [sflag:s21], $0x2000  }
0x17e: {  	[sflag:s21] =	ssyncset.done $0x0  }
0x17f: {  	s18 =	simm.s32 @!p0 $0x11900;
	s16 =	sadd.s32 @!p0 $0x240, s14;
	[sflag:s21] =	ssyncadd.s32 $0xFFFFE000  }
0x180: {  	[tilespmem:s18], [sflag:$0x9] =	stream.indirect.gather @!p0 [hbm4b:s2+s12], $0x80, s16, s12, $0xb8;
	[tilespmem:$0x1D900] =	vst v63  }
0x181: {  	_ =	swait.ge [sflag:s23], $0x2000  }
0x182: {  	s18 =	rddreg [dreg:$0x8];
	[sflag:s23] =	ssyncset.done $0x0  }
0x183: {  	s24 =	simm.s32 $0x15900;
	[sflag:s23] =	ssyncadd.s32 $0xFFFFE000;
	s16 =	sadd.s32 s0, s18  }
0x184: {  	[hbm4b:s16+s3] =	stream.linear.scatter [tilespmem:s24], [sflag:$0x19], $0x2000, $0x38;
	[tilespmem:$0x1D900] =	vst v63  }
0x185: {  	_ =	swait.ge [sflag:s25], $0x2000  }
0x186: {  	[sflag:s25] =	ssyncset.done $0x0  }
0x187: {  	s18 =	simm.s32 @!p0 $0x13900;
	s16 =	sadd.s32 @!p0 $0x280, s14;
	[sflag:s25] =	ssyncadd.s32 $0xFFFFE000  }
0x188: {  	[tilespmem:s18], [sflag:$0xA] =	stream.indirect.gather @!p0 [hbm4b:s2+s12], $0x80, s16, s12, $0xb8;
	[tilespmem:$0x1D900] =	vst v63  }
0x189: {  	_ =	swait.ge [sflag:s28], $0x2000  }
0x18a: {  	s18 =	rddreg [dreg:$0x7];
	[sflag:s28] =	ssyncset.done $0x0  }
0x18b: {  	s24 =	simm.s32 $0x17900;
	[sflag:s28] =	ssyncadd.s32 $0xFFFFE000;
	s16 =	sadd.s32 s0, s18  }
0x18c: {  	[hbm4b:s16+s3] =	stream.linear.scatter [tilespmem:s24], [sflag:$0x1A], $0x2000, $0x38;
	[tilespmem:$0x1D900] =	vst v63  }
0x18d: {  	_ =	swait.ge [sflag:s30], $0x2000  }
0x18e: {  	[sflag:s30] =	ssyncset.done $0x0  }
0x18f: {  	s18 =	simm.s32 @!p0 $0x15900;
	s16 =	sadd.s32 @!p0 $0x2C0, s14;
	[sflag:s30] =	ssyncadd.s32 $0xFFFFE000  }
0x190: {  	[tilespmem:s18], [sflag:$0xB] =	stream.indirect.gather @!p0 [hbm4b:s2+s12], $0x80, s16, s12, $0xb8;
	[tilespmem:$0x1D900] =	vst v63  }
0x191: {  	_ =	swait.ge [sflag:s1], $0x2000  }
0x192: {  	s18 =	rddreg [dreg:$0x6];
	[sflag:s1] =	ssyncset.done $0x0  }
0x193: {  	s24 =	simm.s32 $0x19900;
	[sflag:s1] =	ssyncadd.s32 $0xFFFFE000;
	s16 =	sadd.s32 s0, s18  }
0x194: {  	[hbm4b:s16+s3] =	stream.linear.scatter [tilespmem:s24], [sflag:$0x1B], $0x2000, $0x38;
	[tilespmem:$0x1D900] =	vst v63  }
0x195: {  	_ =	swait.ge [sflag:s10], $0x2000  }
0x196: {  	[sflag:s10] =	ssyncset.done $0x0  }
0x197: {  	s14 =	sadd.s32 @!p0 $0x300, s14;
	s16 =	simm.s32 @!p0 $0x17900;
	[sflag:s10] =	ssyncadd.s32 $0xFFFFE000  }
0x198: {  	[tilespmem:s16], [sflag:$0xC] =	stream.indirect.gather @!p0 [hbm4b:s2+s12], $0x80, s14, s12, $0xb8;
	[tilespmem:$0x1D900] =	vst v63  }
0x199: {  	_ =	swait.ge [sflag:s11], $0x2000  }
0x19a: {  	s18 =	simm.s32 $0x1B900;
	s14 =	rddreg [dreg:$0x5];
	[sflag:s11] =	ssyncset.done $0x0  }
0x19b: {  	s12 =	simm.s32 $0x1B;
	s16 =	sadd.s32 s0, s14;
	[sflag:s11] =	ssyncadd.s32 $0xFFFFE000  }
0x19c: {  	[hbm4b:s16+s3] =	stream.linear.scatter [tilespmem:s18], [sflag:$0x1C], $0x2000, $0x38;
	[tilespmem:$0x1D900] =	vst v63  }
0x19d: {  	_ =	swait.ge [sflag:s12], $0x2000  }
0x19e: {  	[sflag:s12] =	ssyncset.done $0x0  }
0x19f: {  	s14 =	simm.s32 $0x1;
	[sflag:s12] =	ssyncadd.s32 $0xFFFFE000  }
0x1a0: {  	_ =	swait.ge [sflag:s14], $0x2000  }
0x1a1: {  	s18 =	simm.s32 $0x1900;
	[sflag:s14] =	ssyncset.done $0x0  }
0x1a2: {  	s16 =	rddreg [dreg:$0x11];
	[sflag:s14] =	ssyncadd.s32 $0xFFFFE000;
	s14 =	simm.s32 $0x1C  }
0x1a3: {  	[hbm4b:s16+s3] =	stream.linear.scatter [tilespmem:s18], [sflag:$0xF], $0x2000, $0x38;
	[tilespmem:$0x1D900] =	vst v63  }
0x1a4: {  	_ =	swait.ge [sflag:s14], $0x2000  }
0x1a5: {  	[sflag:s14] =	ssyncset.done $0x0  }
0x1a6: {  	[sflag:s14] =	ssyncadd.s32 $0xFFFFE000  }
0x1a7: {  	_ =	swait.ge [sflag:s26], $0x2000  }
0x1a8: {  	[sflag:s26] =	ssyncset.done $0x0  }
0x1a9: {  	s18 =	simm.s32 $0x3900;
	s16 =	rddreg [dreg:$0x12];
	[sflag:s26] =	ssyncadd.s32 $0xFFFFE000  }
0x1aa: {  	[hbm4b:s16+s3] =	stream.linear.scatter [tilespmem:s18], [sflag:$0x10], $0x2000, $0x38;
	[tilespmem:$0x1D900] =	vst v63  }
0x1ab: {  	_ =	swait.ge [sflag:s22], $0x2000  }
0x1ac: {  	[sflag:s22] =	ssyncset.done $0x0  }
0x1ad: {  	[sflag:s22] =	ssyncadd.s32 $0xFFFFE000  }
0x1ae: {  	_ =	swait.ge [sflag:s20], $0x2000  }
0x1af: {  	s22 =	rddreg [dreg:$0x14]  }
0x1b0: {  	s26 =	rddreg [dreg:$0x13];
	s12 =	sadd.s32 $0x1, s22  }
0x1b1: {  	p0 =	sne.s32 s12, s26  }
.Ltmp1:
0x1b2: {  	_ = 	snop;
	(pc) =	sbr.rel @p0 .LBB2_1-.Ltmp1, $3  }
0x1b3: {  	_ =	sdelay $0x1  }
0x1b4: {  	[sflag:s20] =	ssyncset.done $0x0  }
0x1b5: {  	s24 =	simm.s32 $0x1B900;
	[sflag:s20] =	ssyncadd.s32 $0xFFFFE000  }
0x1b6: {  	_ =	sfence.sel $0x180000  }
0x1b7: {  	[bflag:$0x0] =	sbarrier.arrive $0xFFFF  }
0x1b8: {  	_ =	strace $0x90000047  }
0x1b9: {  	s0 =	stileid.u32;
	[bflag:$0x2] =	sbarrier.arrive $0xFFFF  }
0x1ba: {  	p0 =	sne.s32 s0, $0x0;
	s0 =	rddreg [dreg:$0x3]  }
0x1bb: {  	s0 =	sadd.s32 @!p0 $0x100000, s0  }
0x1bc: {  	[sflag:s0] =	ssyncadd.tile.s32 @!p0 $0x1;
	_ =	shalt  }
.Lfunc_end2:
_tile_overlayer_lowered:
.L_overlay_start_2:
0x1bd: {  	(tag) =	ssettag $0x2  }
0x1be: {  	s0 =	rddreg [dreg:$0x0];
	s2 =	stileid.u32  }
0x1bf: {  	s1 =	rddreg [dreg:$0x1];
	p0 =	sne.s32 s2, $0x0  }
0x1c0: {  	s3 =	rddreg [dreg:$0x2];
	[bflag:$0x3] =	sbarrier.arrive $0xFFFF;
	s2 =	simm.s32 @!p0 $0x1C1D  }
0x1c1: {  	[timem:s3], [sflag:s2] =	dma.local @!p0 [hbm:s0], s1  }
0x1c2: {  	s0 =	simm.s32 @!p0 $0x1D  }
0x1c3: {  	_ =	swait.ge @!p0 [sflag:s0], s1  }
0x1c4: {  	s1 =	ssub.s32 @!p0 $0x0, s1;
	[sflag:s0] =	ssyncset.done @!p0 $0x0  }
0x1c5: {  	[sflag:s0] =	ssyncadd.s32 @!p0 s1  }
0x1c6: {  	[bflag:$0x3] =	sbarrier.arrive $0xFFFF  }
0x1c7: {  	_ =	shalt  }

</sc_bundles>
